<compile_context>
chip_gen: v7x
topology: tpu7x:2x2x1
jax: 0.10.2.dev20260603
libtpu: 0.0.44.dev20260713+nightly
codegen_flags: <defaults>
</compile_context>

<pallas_src>
import functools

import jax
import jax.numpy as jnp
from jax import lax
from jax.experimental import pallas as pl
from jax.experimental.pallas import tpu as pltpu
from jax.experimental.pallas import tpu_sc as plsc

_NC = 2
_NS = 16
_NW = _NC * _NS
_L = 16
_D = 4



def _sc_reduce_body(epw, e_total, ep_hbm, rec_hbm, out_hbm, ev, rv, ov, sem):
    wid = lax.axis_index("s") * _NC + lax.axis_index("c")
    base = wid * epw
    cps = [
        pltpu.async_copy(ep_hbm.at[pl.ds(c * e_total + base, epw)],
                         ev.at[pl.ds(c * epw, epw)], sem)
        for c in range(_D)
    ]
    cps.append(pltpu.async_copy(rec_hbm.at[pl.ds(base, epw)], rv, sem))
    for cp in cps:
        cp.wait()

    zeros = jnp.zeros((_L,), jnp.float32)
    ones = jnp.full((_L,), 1.0, jnp.float32)

    unroll = 5
    assert (epw // _L) % unroll == 0

    def chunk(j, carry):
        accs = list(carry)
        for u in range(unroll):
            jj = j * unroll + u
            rec = rv[pl.ds(jj * _L, _L)]
            mf = jnp.where(rec == 0, ones, zeros)
            accs[_D] = accs[_D] + mf
            for c in range(_D):
                vals = ev[pl.ds(c * epw + jj * _L, _L)]
                accs[c] = accs[c] + vals * mf
        return tuple(accs)

    accs = lax.fori_loop(0, epw // _L // unroll, chunk, (zeros,) * (_D + 1))
    for c in range(_D + 1):
        ov[pl.ds(c * _L, _L)] = accs[c]
    pltpu.sync_copy(ov, out_hbm.at[wid])


def _sc_reduce(edges_planar, receivers):
    e = receivers.shape[0]
    epw = e // _NW
    mesh = plsc.VectorSubcoreMesh(core_axis_name="c", subcore_axis_name="s")
    fn = functools.partial(
        pl.kernel,
        mesh=mesh,
        out_type=jax.ShapeDtypeStruct((_NW, (_D + 1) * _L), jnp.float32),
        scratch_types=[
            pltpu.VMEM((_D * epw,), jnp.float32),
            pltpu.VMEM((epw,), jnp.int32),
            pltpu.VMEM(((_D + 1) * _L,), jnp.float32),
            pltpu.SemaphoreType.DMA,
        ],
    )(functools.partial(_sc_reduce_body, epw, e))
    return fn(edges_planar, receivers)



def _lrelu(x):
    return jnp.where(x >= 0, x, 0.01 * x)


def _dlrelu(x):
    return jnp.where(x >= 0, 1.0, 0.01)


def _dense_body(sc_ref, n0_ref, Wn_ref, bn_ref, We_ref, be_ref, Wm_ref,
                bm_ref, Wu_ref, bu_ref, Wo1_ref, bo1_ref, Wo2_ref, bo2_ref,
                Wo3_ref, wo3r_ref, bo3_ref, h_ref, g_ref):
    f32 = jnp.float32
    sc = sc_ref[...]
    colsum = jnp.sum(sc, axis=0, keepdims=True)
    parts = [
        jnp.sum(lax.slice(colsum, (0, c * _L), (1, (c + 1) * _L)),
                axis=1, keepdims=True)
        for c in range(_D + 1)
    ]
    T0 = jnp.concatenate(parts[:_D], axis=1)
    cnt0 = parts[_D]

    S0 = jnp.dot(T0, We_ref[...], preferred_element_type=f32) \
        + cnt0 * be_ref[...]
    emb0 = jnp.dot(n0_ref[...], Wn_ref[...], preferred_element_type=f32) \
        + bn_ref[...]

    bm = bm_ref[...]
    bu = bu_ref[...]
    e = emb0
    for i in range(Wm_ref.shape[0]):
        agg = jnp.dot(S0, Wm_ref[i], preferred_element_type=f32) \
            + cnt0 * lax.slice(bm, (i, 0), (i + 1, bm.shape[1]))
        x = jnp.concatenate([e, agg], axis=1)
        e = _lrelu(jnp.dot(x, Wu_ref[i], preferred_element_type=f32)
                   + lax.slice(bu, (i, 0), (i + 1, bu.shape[1])))

    Wo1 = Wo1_ref[...]
    bo1 = bo1_ref[...]
    Wo2 = Wo2_ref[...]
    bo2 = bo2_ref[...]
    z1 = jnp.dot(e, Wo1, preferred_element_type=f32) + bo1
    a1 = _lrelu(z1)
    z2 = jnp.dot(a1, Wo2, preferred_element_type=f32) + bo2
    a2 = _lrelu(z2)
    h_ref[...] = jnp.dot(a2, Wo3_ref[...], preferred_element_type=f32) \
        + bo3_ref[...]

    z1g = jnp.dot(emb0, Wo1, preferred_element_type=f32) + bo1
    a1g = _lrelu(z1g)
    z2g = jnp.dot(a1g, Wo2, preferred_element_type=f32) + bo2
    d_z2 = wo3r_ref[...] * _dlrelu(z2g)
    d_a1 = lax.dot_general(d_z2, Wo2, (((1,), (1,)), ((), ())),
                           preferred_element_type=f32)
    d_z1 = d_a1 * _dlrelu(z1g)
    d_emb = lax.dot_general(d_z1, Wo1, (((1,), (1,)), ((), ())),
                            preferred_element_type=f32)
    g_ref[...] = lax.dot_general(d_emb, Wn_ref[...], (((1,), (1,)), ((), ())),
                                 preferred_element_type=f32)



def kernel(nodes, edges, receivers, W_node, b_node, W_edge, b_edge, W_msg,
           b_msg, W_upd, b_upd, W_att, b_att, W_o1, b_o1, W_o2, b_o2, W_o3,
           b_o3):
    f32 = jnp.float32
    edges_planar = jnp.transpose(edges).reshape(-1)
    sc_out = _sc_reduce(edges_planar, receivers)

    h2, g2 = pl.pallas_call(
        _dense_body,
        out_shape=[
            jax.ShapeDtypeStruct((1, 1), f32),
            jax.ShapeDtypeStruct((1, nodes.shape[1]), f32),
        ],
    )(
        sc_out,
        nodes[0:1, :],
        W_node,
        b_node.reshape(1, -1),
        W_edge,
        b_edge.reshape(1, -1),
        W_msg,
        b_msg,
        W_upd,
        b_upd,
        W_o1,
        b_o1.reshape(1, -1),
        W_o2,
        b_o2.reshape(1, -1),
        W_o3,
        W_o3.reshape(1, -1),
        b_o3.reshape(1, -1),
    )
    return (h2[0, 0], g2[0, 3:6])

# --- scband reference (transcript-rebuilt; emitter-appended) ---
"""Pipeline reference for scband-gcbfgraph-net-24507083391532 (READ-ONLY COPY).

The authoritative reference and input builder live on the scoring server;
editing this copy changes nothing except your own understanding.
"""

import jax, jax.numpy as jnp
import numpy as np

N = 10000
E = 320000
D_FEAT = 128
D_EDGE = 4
H = 64
STEPS = 3
OUT = 1


def setup_inputs(seed: int = 0) -> dict:
    key = jax.random.key(seed)
    ks = jax.random.split(key, 16)

    def w(k, shape, fan_in):
        return (jax.random.normal(k, shape, dtype=jnp.float32) / np.sqrt(fan_in)).astype(jnp.float32)

    inp = {}
    inp["nodes"] = jax.random.normal(ks[0], (N, D_FEAT), dtype=jnp.float32)
    inp["edges"] = jax.random.normal(ks[1], (E, D_EDGE), dtype=jnp.float32)
    inp["receivers"] = jax.random.randint(ks[2], (E,), 0, N, dtype=jnp.int32)
    inp["W_node"] = w(ks[3], (D_FEAT, H), D_FEAT)
    inp["b_node"] = jnp.zeros((H,), jnp.float32)
    inp["W_edge"] = w(ks[4], (D_EDGE, H), D_EDGE)
    inp["b_edge"] = jnp.zeros((H,), jnp.float32)
    inp["W_msg"] = w(ks[5], (STEPS, H, H), H)
    inp["b_msg"] = jnp.zeros((STEPS, H), jnp.float32)
    inp["W_upd"] = w(ks[6], (STEPS, 2 * H, H), 2 * H)
    inp["b_upd"] = jnp.zeros((STEPS, H), jnp.float32)
    inp["W_att"] = w(ks[7], (H, 1), H)
    inp["b_att"] = jnp.zeros((1,), jnp.float32)
    inp["W_o1"] = w(ks[8], (H, H), H)
    inp["b_o1"] = jnp.zeros((H,), jnp.float32)
    inp["W_o2"] = w(ks[9], (H, H // 2), H)
    inp["b_o2"] = jnp.zeros((H // 2,), jnp.float32)
    inp["W_o3"] = w(ks[10], (H // 2, OUT), H // 2)
    inp["b_o3"] = jnp.zeros((OUT,), jnp.float32)
    return inp


def _output_net(x, W_o1, b_o1, W_o2, b_o2, W_o3, b_o3):
    x = jax.nn.leaky_relu(x @ W_o1 + b_o1)
    x = jax.nn.leaky_relu(x @ W_o2 + b_o2)
    return x @ W_o3 + b_o3


def reference(nodes, edges, receivers, W_node, b_node, W_edge, b_edge, W_msg, b_msg, W_upd, b_upd, W_att, b_att, W_o1, b_o1, W_o2, b_o2, W_o3, b_o3):
    node_emb = nodes @ W_node + b_node
    edge_emb = edges @ W_edge + b_edge
    for i in range(STEPS):
        msgs = edge_emb @ W_msg[i] + b_msg[i]
        att = jax.nn.softmax(msgs @ W_att + b_att, axis=-1)
        agg = jax.ops.segment_sum(msgs * att, receivers, num_segments=nodes.shape[0])
        node_emb = jax.nn.leaky_relu(jnp.concatenate([node_emb, agg], axis=1) @ W_upd[i] + b_upd[i])
    drone_emb = node_emb[0]
    h = _output_net(drone_emb, W_o1, b_o1, W_o2, b_o2, W_o3, b_o3)

    def cbf_fn(pos):
        mod_nodes = nodes.at[0, 3:6].set(pos)
        emb = (mod_nodes @ W_node + b_node)[0]
        return _output_net(emb, W_o1, b_o1, W_o2, b_o2, W_o3, b_o3)

    drone_pos = nodes[0, 3:6]
    grad_h = jax.grad(lambda pos: cbf_fn(pos).sum())(drone_pos)
    return (jnp.squeeze(h), grad_h)

if __name__ == "__main__":
    import jax
    _d = setup_inputs()
    print(jax.jit(kernel)(*tuple(_d.values())))

</pallas_src>

<mosaic_0001>
#map = affine_map<(d0, d1) -> (0)>
#map1 = affine_map<(d0, d1) -> (0, 0)>
module attributes {stable_mosaic.version = 14 : i64} {
  func.func @_sc_reduce_body(%arg0: i32, %arg1: i32, %arg2: memref<1280000xf32, #tpu.memory_space<hbm>>, %arg3: memref<320000xi32, #tpu.memory_space<hbm>>, %arg4: memref<32x80xf32, #tpu.memory_space<hbm>>, %arg5: memref<40000xf32, #tpu.memory_space<vmem>>, %arg6: memref<10000xi32, #tpu.memory_space<vmem>>, %arg7: memref<80xf32, #tpu.memory_space<vmem>>, %arg8: memref<!tpu.dma_semaphore, #tpu.memory_space<semaphore_mem>>) attributes {dimension_semantics = [#tpu.dimension_semantics<core_parallel>, #tpu.dimension_semantics<subcore_parallel>], iteration_bounds = array<i64: 2, 16>, scalar_prefetch = 0 : i64, scratch_operands = 4 : i64, tpu.core_type = #tpu.core_type<sc_vector_subcore>, window_params = [{transform_indices = #map}, {transform_indices = #map}, {transform_indices = #map1}]} {
    %mul3A = arith.constant 2 : i32
    %mul3A_0 = arith.muli %arg1, %mul3A : i32
    %add3A = arith.addi %mul3A_0, %arg0 : i32
    %mul3A_1 = arith.constant 10000 : i32
    %mul3A_2 = arith.muli %add3A, %mul3A_1 : i32
    %add3A_3 = arith.constant 0 : i32
    %add3A_4 = arith.addi %add3A_3, %mul3A_2 : i32
    %dma_start3A = arith.constant 0 : i32
    %dma_start3A_5 = tpu.memref_slice %arg5[%dma_start3A] : memref<40000xf32, #tpu.memory_space<vmem>> -> memref<10000xf32, #tpu.memory_space<vmem>>
    %dma_start3A_6 = tpu.memref_slice %arg2[%add3A_4] : memref<1280000xf32, #tpu.memory_space<hbm>> -> memref<10000xf32, #tpu.memory_space<hbm>>
    %dma_start3A_7 = arith.constant 0 : i32
    %dma_start3A_8 = tpu.memref_slice %arg5[%dma_start3A_7] : memref<40000xf32, #tpu.memory_space<vmem>> -> memref<10000xf32, #tpu.memory_space<vmem>>
    %dma_start3A_9 = tpu.memref_slice %arg2[%add3A_4] : memref<1280000xf32, #tpu.memory_space<hbm>> -> memref<10000xf32, #tpu.memory_space<hbm>>
    tpu.enqueue_dma source(%dma_start3A_9 : memref<10000xf32, #tpu.memory_space<hbm>>) target(%dma_start3A_8 : memref<10000xf32, #tpu.memory_space<vmem>>) target_semaphore(%arg8 : memref<!tpu.dma_semaphore, #tpu.memory_space<semaphore_mem>>)
    %add3A_10 = arith.constant 320000 : i32
    %add3A_11 = arith.addi %add3A_10, %mul3A_2 : i32
    %dma_start3A_12 = arith.constant 10000 : i32
    %dma_start3A_13 = tpu.memref_slice %arg5[%dma_start3A_12] : memref<40000xf32, #tpu.memory_space<vmem>> -> memref<10000xf32, #tpu.memory_space<vmem>>
    %dma_start3A_14 = tpu.memref_slice %arg2[%add3A_11] : memref<1280000xf32, #tpu.memory_space<hbm>> -> memref<10000xf32, #tpu.memory_space<hbm>>
    %dma_start3A_15 = arith.constant 10000 : i32
    %dma_start3A_16 = tpu.memref_slice %arg5[%dma_start3A_15] : memref<40000xf32, #tpu.memory_space<vmem>> -> memref<10000xf32, #tpu.memory_space<vmem>>
    %dma_start3A_17 = tpu.memref_slice %arg2[%add3A_11] : memref<1280000xf32, #tpu.memory_space<hbm>> -> memref<10000xf32, #tpu.memory_space<hbm>>
    tpu.enqueue_dma source(%dma_start3A_17 : memref<10000xf32, #tpu.memory_space<hbm>>) target(%dma_start3A_16 : memref<10000xf32, #tpu.memory_space<vmem>>) target_semaphore(%arg8 : memref<!tpu.dma_semaphore, #tpu.memory_space<semaphore_mem>>)
    %add3A_18 = arith.constant 640000 : i32
    %add3A_19 = arith.addi %add3A_18, %mul3A_2 : i32
    %dma_start3A_20 = arith.constant 20000 : i32
    %dma_start3A_21 = tpu.memref_slice %arg5[%dma_start3A_20] : memref<40000xf32, #tpu.memory_space<vmem>> -> memref<10000xf32, #tpu.memory_space<vmem>>
    %dma_start3A_22 = tpu.memref_slice %arg2[%add3A_19] : memref<1280000xf32, #tpu.memory_space<hbm>> -> memref<10000xf32, #tpu.memory_space<hbm>>
    %dma_start3A_23 = arith.constant 20000 : i32
    %dma_start3A_24 = tpu.memref_slice %arg5[%dma_start3A_23] : memref<40000xf32, #tpu.memory_space<vmem>> -> memref<10000xf32, #tpu.memory_space<vmem>>
    %dma_start3A_25 = tpu.memref_slice %arg2[%add3A_19] : memref<1280000xf32, #tpu.memory_space<hbm>> -> memref<10000xf32, #tpu.memory_space<hbm>>
    tpu.enqueue_dma source(%dma_start3A_25 : memref<10000xf32, #tpu.memory_space<hbm>>) target(%dma_start3A_24 : memref<10000xf32, #tpu.memory_space<vmem>>) target_semaphore(%arg8 : memref<!tpu.dma_semaphore, #tpu.memory_space<semaphore_mem>>)
    %add3A_26 = arith.constant 960000 : i32
    %add3A_27 = arith.addi %add3A_26, %mul3A_2 : i32
    %dma_start3A_28 = arith.constant 30000 : i32
    %dma_start3A_29 = tpu.memref_slice %arg5[%dma_start3A_28] : memref<40000xf32, #tpu.memory_space<vmem>> -> memref<10000xf32, #tpu.memory_space<vmem>>
    %dma_start3A_30 = tpu.memref_slice %arg2[%add3A_27] : memref<1280000xf32, #tpu.memory_space<hbm>> -> memref<10000xf32, #tpu.memory_space<hbm>>
    %dma_start3A_31 = arith.constant 30000 : i32
    %dma_start3A_32 = tpu.memref_slice %arg5[%dma_start3A_31] : memref<40000xf32, #tpu.memory_space<vmem>> -> memref<10000xf32, #tpu.memory_space<vmem>>
    %dma_start3A_33 = tpu.memref_slice %arg2[%add3A_27] : memref<1280000xf32, #tpu.memory_space<hbm>> -> memref<10000xf32, #tpu.memory_space<hbm>>
    tpu.enqueue_dma source(%dma_start3A_33 : memref<10000xf32, #tpu.memory_space<hbm>>) target(%dma_start3A_32 : memref<10000xf32, #tpu.memory_space<vmem>>) target_semaphore(%arg8 : memref<!tpu.dma_semaphore, #tpu.memory_space<semaphore_mem>>)
    %dma_start3A_34 = tpu.memref_slice %arg3[%mul3A_2] : memref<320000xi32, #tpu.memory_space<hbm>> -> memref<10000xi32, #tpu.memory_space<hbm>>
    %dma_start3A_35 = tpu.memref_slice %arg3[%mul3A_2] : memref<320000xi32, #tpu.memory_space<hbm>> -> memref<10000xi32, #tpu.memory_space<hbm>>
    tpu.enqueue_dma source(%dma_start3A_35 : memref<10000xi32, #tpu.memory_space<hbm>>) target(%arg6 : memref<10000xi32, #tpu.memory_space<vmem>>) target_semaphore(%arg8 : memref<!tpu.dma_semaphore, #tpu.memory_space<semaphore_mem>>)
    %dma_wait3A = arith.constant 0 : i32
    %dma_wait3A_36 = tpu.memref_slice %arg5[%dma_wait3A] : memref<40000xf32, #tpu.memory_space<vmem>> -> memref<10000xf32, #tpu.memory_space<vmem>>
    %dma_wait3A_37 = tpu.memref_slice %arg2[%add3A_4] : memref<1280000xf32, #tpu.memory_space<hbm>> -> memref<10000xf32, #tpu.memory_space<hbm>>
    %dma_wait3A_38 = arith.constant 0 : i32
    %dma_wait3A_39 = tpu.memref_slice %arg5[%dma_wait3A_38] : memref<40000xf32, #tpu.memory_space<vmem>> -> memref<10000xf32, #tpu.memory_space<vmem>>
    %dma_wait3A_40 = tpu.memref_slice %arg2[%add3A_4] : memref<1280000xf32, #tpu.memory_space<hbm>> -> memref<10000xf32, #tpu.memory_space<hbm>>
    tpu.wait_dma2 semaphore(%arg8 : memref<!tpu.dma_semaphore, #tpu.memory_space<semaphore_mem>>) src(%dma_wait3A_40 : memref<10000xf32, #tpu.memory_space<hbm>>) dst(%dma_wait3A_39 : memref<10000xf32, #tpu.memory_space<vmem>>)
    %dma_wait3A_41 = arith.constant 10000 : i32
    %dma_wait3A_42 = tpu.memref_slice %arg5[%dma_wait3A_41] : memref<40000xf32, #tpu.memory_space<vmem>> -> memref<10000xf32, #tpu.memory_space<vmem>>
    %dma_wait3A_43 = tpu.memref_slice %arg2[%add3A_11] : memref<1280000xf32, #tpu.memory_space<hbm>> -> memref<10000xf32, #tpu.memory_space<hbm>>
    %dma_wait3A_44 = arith.constant 10000 : i32
    %dma_wait3A_45 = tpu.memref_slice %arg5[%dma_wait3A_44] : memref<40000xf32, #tpu.memory_space<vmem>> -> memref<10000xf32, #tpu.memory_space<vmem>>
    %dma_wait3A_46 = tpu.memref_slice %arg2[%add3A_11] : memref<1280000xf32, #tpu.memory_space<hbm>> -> memref<10000xf32, #tpu.memory_space<hbm>>
    tpu.wait_dma2 semaphore(%arg8 : memref<!tpu.dma_semaphore, #tpu.memory_space<semaphore_mem>>) src(%dma_wait3A_46 : memref<10000xf32, #tpu.memory_space<hbm>>) dst(%dma_wait3A_45 : memref<10000xf32, #tpu.memory_space<vmem>>)
    %dma_wait3A_47 = arith.constant 20000 : i32
    %dma_wait3A_48 = tpu.memref_slice %arg5[%dma_wait3A_47] : memref<40000xf32, #tpu.memory_space<vmem>> -> memref<10000xf32, #tpu.memory_space<vmem>>
    %dma_wait3A_49 = tpu.memref_slice %arg2[%add3A_19] : memref<1280000xf32, #tpu.memory_space<hbm>> -> memref<10000xf32, #tpu.memory_space<hbm>>
    %dma_wait3A_50 = arith.constant 20000 : i32
    %dma_wait3A_51 = tpu.memref_slice %arg5[%dma_wait3A_50] : memref<40000xf32, #tpu.memory_space<vmem>> -> memref<10000xf32, #tpu.memory_space<vmem>>
    %dma_wait3A_52 = tpu.memref_slice %arg2[%add3A_19] : memref<1280000xf32, #tpu.memory_space<hbm>> -> memref<10000xf32, #tpu.memory_space<hbm>>
    tpu.wait_dma2 semaphore(%arg8 : memref<!tpu.dma_semaphore, #tpu.memory_space<semaphore_mem>>) src(%dma_wait3A_52 : memref<10000xf32, #tpu.memory_space<hbm>>) dst(%dma_wait3A_51 : memref<10000xf32, #tpu.memory_space<vmem>>)
    %dma_wait3A_53 = arith.constant 30000 : i32
    %dma_wait3A_54 = tpu.memref_slice %arg5[%dma_wait3A_53] : memref<40000xf32, #tpu.memory_space<vmem>> -> memref<10000xf32, #tpu.memory_space<vmem>>
    %dma_wait3A_55 = tpu.memref_slice %arg2[%add3A_27] : memref<1280000xf32, #tpu.memory_space<hbm>> -> memref<10000xf32, #tpu.memory_space<hbm>>
    %dma_wait3A_56 = arith.constant 30000 : i32
    %dma_wait3A_57 = tpu.memref_slice %arg5[%dma_wait3A_56] : memref<40000xf32, #tpu.memory_space<vmem>> -> memref<10000xf32, #tpu.memory_space<vmem>>
    %dma_wait3A_58 = tpu.memref_slice %arg2[%add3A_27] : memref<1280000xf32, #tpu.memory_space<hbm>> -> memref<10000xf32, #tpu.memory_space<hbm>>
    tpu.wait_dma2 semaphore(%arg8 : memref<!tpu.dma_semaphore, #tpu.memory_space<semaphore_mem>>) src(%dma_wait3A_58 : memref<10000xf32, #tpu.memory_space<hbm>>) dst(%dma_wait3A_57 : memref<10000xf32, #tpu.memory_space<vmem>>)
    %dma_wait3A_59 = tpu.memref_slice %arg3[%mul3A_2] : memref<320000xi32, #tpu.memory_space<hbm>> -> memref<10000xi32, #tpu.memory_space<hbm>>
    %dma_wait3A_60 = tpu.memref_slice %arg3[%mul3A_2] : memref<320000xi32, #tpu.memory_space<hbm>> -> memref<10000xi32, #tpu.memory_space<hbm>>
    tpu.wait_dma2 semaphore(%arg8 : memref<!tpu.dma_semaphore, #tpu.memory_space<semaphore_mem>>) src(%dma_wait3A_60 : memref<10000xi32, #tpu.memory_space<hbm>>) dst(%arg6 : memref<10000xi32, #tpu.memory_space<vmem>>)
    %broadcast_in_dim3A = arith.constant 0.000000e+00 : f32
    %broadcast_in_dim3A_61 = vector.broadcast %broadcast_in_dim3A : f32 to vector<16xf32>
    %broadcast_in_dim3A_62 = arith.constant 1.000000e+00 : f32
    %broadcast_in_dim3A_63 = vector.broadcast %broadcast_in_dim3A_62 : f32 to vector<16xf32>
    %scan3A = arith.constant 0 : i32
    %scan3A_64 = arith.constant 125 : i32
    %scan3A_65 = arith.addi %scan3A, %scan3A_64 : i32
    %scan3A_66 = arith.constant 1 : i32
    %scan3A_67:5 = scf.for %scan3A_88 = %scan3A to %scan3A_65 step %scan3A_66 iter_args(%scan3A_89 = %broadcast_in_dim3A_61, %scan3A_90 = %broadcast_in_dim3A_61, %scan3A_91 = %broadcast_in_dim3A_61, %scan3A_92 = %broadcast_in_dim3A_61, %scan3A_93 = %broadcast_in_dim3A_61) -> (vector<16xf32>, vector<16xf32>, vector<16xf32>, vector<16xf32>, vector<16xf32>)  : i32 {
      %mul3A_94 = arith.constant 5 : i32
      %mul3A_95 = arith.muli %scan3A_88, %mul3A_94 : i32
      %add3A_96 = arith.constant 0 : i32
      %add3A_97 = arith.addi %mul3A_95, %add3A_96 : i32
      %mul3A_98 = arith.constant 16 : i32
      %mul3A_99 = arith.muli %add3A_97, %mul3A_98 : i32
      %get3A = arith.index_cast %mul3A_99 : i32 to index
      %get3A_100 = tpu.vector_load %arg6[%get3A] {strides = array<i32>} : memref<10000xi32, #tpu.memory_space<vmem>>, vector<16xi32>,
      %get3A_101 = vector.shape_cast %get3A_100 : vector<16xi32> to vector<16xi32>
      %eq3A = arith.constant 0 : i32
      %eq3A_102 = vector.broadcast %eq3A : i32 to vector<16xi32>
      %eq3A_103 = arith.cmpi eq, %get3A_101, %eq3A_102 : vector<16xi32>
      %select_n3A = arith.select %eq3A_103, %broadcast_in_dim3A_63, %broadcast_in_dim3A_61 : vector<16xi1>, vector<16xf32>
      %add3A_104 = arith.addf %scan3A_93, %select_n3A : vector<16xf32>
      %mul3A_105 = arith.constant 16 : i32
      %mul3A_106 = arith.muli %add3A_97, %mul3A_105 : i32
      %add3A_107 = arith.constant 0 : i32
      %add3A_108 = arith.addi %add3A_107, %mul3A_106 : i32
      %get3A_109 = arith.index_cast %add3A_108 : i32 to index
      %get3A_110 = tpu.vector_load %arg5[%get3A_109] {strides = array<i32>} : memref<40000xf32, #tpu.memory_space<vmem>>, vector<16xf32>,
      %get3A_111 = vector.shape_cast %get3A_110 : vector<16xf32> to vector<16xf32>
      %mul3A_112 = arith.mulf %get3A_111, %select_n3A : vector<16xf32>
      %add3A_113 = arith.addf %scan3A_89, %mul3A_112 : vector<16xf32>
      %mul3A_114 = arith.constant 16 : i32
      %mul3A_115 = arith.muli %add3A_97, %mul3A_114 : i32
      %add3A_116 = arith.constant 10000 : i32
      %add3A_117 = arith.addi %add3A_116, %mul3A_115 : i32
      %get3A_118 = arith.index_cast %add3A_117 : i32 to index
      %get3A_119 = tpu.vector_load %arg5[%get3A_118] {strides = array<i32>} : memref<40000xf32, #tpu.memory_space<vmem>>, vector<16xf32>,
      %get3A_120 = vector.shape_cast %get3A_119 : vector<16xf32> to vector<16xf32>
      %mul3A_121 = arith.mulf %get3A_120, %select_n3A : vector<16xf32>
      %add3A_122 = arith.addf %scan3A_90, %mul3A_121 : vector<16xf32>
      %mul3A_123 = arith.constant 16 : i32
      %mul3A_124 = arith.muli %add3A_97, %mul3A_123 : i32
      %add3A_125 = arith.constant 20000 : i32
      %add3A_126 = arith.addi %add3A_125, %mul3A_124 : i32
      %get3A_127 = arith.index_cast %add3A_126 : i32 to index
      %get3A_128 = tpu.vector_load %arg5[%get3A_127] {strides = array<i32>} : memref<40000xf32, #tpu.memory_space<vmem>>, vector<16xf32>,
      %get3A_129 = vector.shape_cast %get3A_128 : vector<16xf32> to vector<16xf32>
      %mul3A_130 = arith.mulf %get3A_129, %select_n3A : vector<16xf32>
      %add3A_131 = arith.addf %scan3A_91, %mul3A_130 : vector<16xf32>
      %mul3A_132 = arith.constant 16 : i32
      %mul3A_133 = arith.muli %add3A_97, %mul3A_132 : i32
      %add3A_134 = arith.constant 30000 : i32
      %add3A_135 = arith.addi %add3A_134, %mul3A_133 : i32
      %get3A_136 = arith.index_cast %add3A_135 : i32 to index
      %get3A_137 = tpu.vector_load %arg5[%get3A_136] {strides = array<i32>} : memref<40000xf32, #tpu.memory_space<vmem>>, vector<16xf32>,
      %get3A_138 = vector.shape_cast %get3A_137 : vector<16xf32> to vector<16xf32>
      %mul3A_139 = arith.mulf %get3A_138, %select_n3A : vector<16xf32>
      %add3A_140 = arith.addf %scan3A_92, %mul3A_139 : vector<16xf32>
      %mul3A_141 = arith.constant 5 : i32
      %mul3A_142 = arith.muli %scan3A_88, %mul3A_141 : i32
      %add3A_143 = arith.constant 1 : i32
      %add3A_144 = arith.addi %mul3A_142, %add3A_143 : i32
      %mul3A_145 = arith.constant 16 : i32
      %mul3A_146 = arith.muli %add3A_144, %mul3A_145 : i32
      %get3A_147 = arith.index_cast %mul3A_146 : i32 to index
      %get3A_148 = tpu.vector_load %arg6[%get3A_147] {strides = array<i32>} : memref<10000xi32, #tpu.memory_space<vmem>>, vector<16xi32>,
      %get3A_149 = vector.shape_cast %get3A_148 : vector<16xi32> to vector<16xi32>
      %eq3A_150 = arith.constant 0 : i32
      %eq3A_151 = vector.broadcast %eq3A_150 : i32 to vector<16xi32>
      %eq3A_152 = arith.cmpi eq, %get3A_149, %eq3A_151 : vector<16xi32>
      %select_n3A_153 = arith.select %eq3A_152, %broadcast_in_dim3A_63, %broadcast_in_dim3A_61 : vector<16xi1>, vector<16xf32>
      %add3A_154 = arith.addf %add3A_104, %select_n3A_153 : vector<16xf32>
      %mul3A_155 = arith.constant 16 : i32
      %mul3A_156 = arith.muli %add3A_144, %mul3A_155 : i32
      %add3A_157 = arith.constant 0 : i32
      %add3A_158 = arith.addi %add3A_157, %mul3A_156 : i32
      %get3A_159 = arith.index_cast %add3A_158 : i32 to index
      %get3A_160 = tpu.vector_load %arg5[%get3A_159] {strides = array<i32>} : memref<40000xf32, #tpu.memory_space<vmem>>, vector<16xf32>,
      %get3A_161 = vector.shape_cast %get3A_160 : vector<16xf32> to vector<16xf32>
      %mul3A_162 = arith.mulf %get3A_161, %select_n3A_153 : vector<16xf32>
      %add3A_163 = arith.addf %add3A_113, %mul3A_162 : vector<16xf32>
      %mul3A_164 = arith.constant 16 : i32
      %mul3A_165 = arith.muli %add3A_144, %mul3A_164 : i32
      %add3A_166 = arith.constant 10000 : i32
      %add3A_167 = arith.addi %add3A_166, %mul3A_165 : i32
      %get3A_168 = arith.index_cast %add3A_167 : i32 to index
      %get3A_169 = tpu.vector_load %arg5[%get3A_168] {strides = array<i32>} : memref<40000xf32, #tpu.memory_space<vmem>>, vector<16xf32>,
      %get3A_170 = vector.shape_cast %get3A_169 : vector<16xf32> to vector<16xf32>
      %mul3A_171 = arith.mulf %get3A_170, %select_n3A_153 : vector<16xf32>
      %add3A_172 = arith.addf %add3A_122, %mul3A_171 : vector<16xf32>
      %mul3A_173 = arith.constant 16 : i32
      %mul3A_174 = arith.muli %add3A_144, %mul3A_173 : i32
      %add3A_175 = arith.constant 20000 : i32
      %add3A_176 = arith.addi %add3A_175, %mul3A_174 : i32
      %get3A_177 = arith.index_cast %add3A_176 : i32 to index
      %get3A_178 = tpu.vector_load %arg5[%get3A_177] {strides = array<i32>} : memref<40000xf32, #tpu.memory_space<vmem>>, vector<16xf32>,
      %get3A_179 = vector.shape_cast %get3A_178 : vector<16xf32> to vector<16xf32>
      %mul3A_180 = arith.mulf %get3A_179, %select_n3A_153 : vector<16xf32>
      %add3A_181 = arith.addf %add3A_131, %mul3A_180 : vector<16xf32>
      %mul3A_182 = arith.constant 16 : i32
      %mul3A_183 = arith.muli %add3A_144, %mul3A_182 : i32
      %add3A_184 = arith.constant 30000 : i32
      %add3A_185 = arith.addi %add3A_184, %mul3A_183 : i32
      %get3A_186 = arith.index_cast %add3A_185 : i32 to index
      %get3A_187 = tpu.vector_load %arg5[%get3A_186] {strides = array<i32>} : memref<40000xf32, #tpu.memory_space<vmem>>, vector<16xf32>,
      %get3A_188 = vector.shape_cast %get3A_187 : vector<16xf32> to vector<16xf32>
      %mul3A_189 = arith.mulf %get3A_188, %select_n3A_153 : vector<16xf32>
      %add3A_190 = arith.addf %add3A_140, %mul3A_189 : vector<16xf32>
      %mul3A_191 = arith.constant 5 : i32
      %mul3A_192 = arith.muli %scan3A_88, %mul3A_191 : i32
      %add3A_193 = arith.constant 2 : i32
      %add3A_194 = arith.addi %mul3A_192, %add3A_193 : i32
      %mul3A_195 = arith.constant 16 : i32
      %mul3A_196 = arith.muli %add3A_194, %mul3A_195 : i32
      %get3A_197 = arith.index_cast %mul3A_196 : i32 to index
      %get3A_198 = tpu.vector_load %arg6[%get3A_197] {strides = array<i32>} : memref<10000xi32, #tpu.memory_space<vmem>>, vector<16xi32>,
      %get3A_199 = vector.shape_cast %get3A_198 : vector<16xi32> to vector<16xi32>
      %eq3A_200 = arith.constant 0 : i32
      %eq3A_201 = vector.broadcast %eq3A_200 : i32 to vector<16xi32>
      %eq3A_202 = arith.cmpi eq, %get3A_199, %eq3A_201 : vector<16xi32>
      %select_n3A_203 = arith.select %eq3A_202, %broadcast_in_dim3A_63, %broadcast_in_dim3A_61 : vector<16xi1>, vector<16xf32>
      %add3A_204 = arith.addf %add3A_154, %select_n3A_203 : vector<16xf32>
      %mul3A_205 = arith.constant 16 : i32
      %mul3A_206 = arith.muli %add3A_194, %mul3A_205 : i32
      %add3A_207 = arith.constant 0 : i32
      %add3A_208 = arith.addi %add3A_207, %mul3A_206 : i32
      %get3A_209 = arith.index_cast %add3A_208 : i32 to index
      %get3A_210 = tpu.vector_load %arg5[%get3A_209] {strides = array<i32>} : memref<40000xf32, #tpu.memory_space<vmem>>, vector<16xf32>,
      %get3A_211 = vector.shape_cast %get3A_210 : vector<16xf32> to vector<16xf32>
      %mul3A_212 = arith.mulf %get3A_211, %select_n3A_203 : vector<16xf32>
      %add3A_213 = arith.addf %add3A_163, %mul3A_212 : vector<16xf32>
      %mul3A_214 = arith.constant 16 : i32
      %mul3A_215 = arith.muli %add3A_194, %mul3A_214 : i32
      %add3A_216 = arith.constant 10000 : i32
      %add3A_217 = arith.addi %add3A_216, %mul3A_215 : i32
      %get3A_218 = arith.index_cast %add3A_217 : i32 to index
      %get3A_219 = tpu.vector_load %arg5[%get3A_218] {strides = array<i32>} : memref<40000xf32, #tpu.memory_space<vmem>>, vector<16xf32>,
      %get3A_220 = vector.shape_cast %get3A_219 : vector<16xf32> to vector<16xf32>
      %mul3A_221 = arith.mulf %get3A_220, %select_n3A_203 : vector<16xf32>
      %add3A_222 = arith.addf %add3A_172, %mul3A_221 : vector<16xf32>
      %mul3A_223 = arith.constant 16 : i32
      %mul3A_224 = arith.muli %add3A_194, %mul3A_223 : i32
      %add3A_225 = arith.constant 20000 : i32
      %add3A_226 = arith.addi %add3A_225, %mul3A_224 : i32
      %get3A_227 = arith.index_cast %add3A_226 : i32 to index
      %get3A_228 = tpu.vector_load %arg5[%get3A_227] {strides = array<i32>} : memref<40000xf32, #tpu.memory_space<vmem>>, vector<16xf32>,
      %get3A_229 = vector.shape_cast %get3A_228 : vector<16xf32> to vector<16xf32>
      %mul3A_230 = arith.mulf %get3A_229, %select_n3A_203 : vector<16xf32>
      %add3A_231 = arith.addf %add3A_181, %mul3A_230 : vector<16xf32>
      %mul3A_232 = arith.constant 16 : i32
      %mul3A_233 = arith.muli %add3A_194, %mul3A_232 : i32
      %add3A_234 = arith.constant 30000 : i32
      %add3A_235 = arith.addi %add3A_234, %mul3A_233 : i32
      %get3A_236 = arith.index_cast %add3A_235 : i32 to index
      %get3A_237 = tpu.vector_load %arg5[%get3A_236] {strides = array<i32>} : memref<40000xf32, #tpu.memory_space<vmem>>, vector<16xf32>,
      %get3A_238 = vector.shape_cast %get3A_237 : vector<16xf32> to vector<16xf32>
      %mul3A_239 = arith.mulf %get3A_238, %select_n3A_203 : vector<16xf32>
      %add3A_240 = arith.addf %add3A_190, %mul3A_239 : vector<16xf32>
      %mul3A_241 = arith.constant 5 : i32
      %mul3A_242 = arith.muli %scan3A_88, %mul3A_241 : i32
      %add3A_243 = arith.constant 3 : i32
      %add3A_244 = arith.addi %mul3A_242, %add3A_243 : i32
      %mul3A_245 = arith.constant 16 : i32
      %mul3A_246 = arith.muli %add3A_244, %mul3A_245 : i32
      %get3A_247 = arith.index_cast %mul3A_246 : i32 to index
      %get3A_248 = tpu.vector_load %arg6[%get3A_247] {strides = array<i32>} : memref<10000xi32, #tpu.memory_space<vmem>>, vector<16xi32>,
      %get3A_249 = vector.shape_cast %get3A_248 : vector<16xi32> to vector<16xi32>
      %eq3A_250 = arith.constant 0 : i32
      %eq3A_251 = vector.broadcast %eq3A_250 : i32 to vector<16xi32>
      %eq3A_252 = arith.cmpi eq, %get3A_249, %eq3A_251 : vector<16xi32>
      %select_n3A_253 = arith.select %eq3A_252, %broadcast_in_dim3A_63, %broadcast_in_dim3A_61 : vector<16xi1>, vector<16xf32>
      %add3A_254 = arith.addf %add3A_204, %select_n3A_253 : vector<16xf32>
      %mul3A_255 = arith.constant 16 : i32
      %mul3A_256 = arith.muli %add3A_244, %mul3A_255 : i32
      %add3A_257 = arith.constant 0 : i32
      %add3A_258 = arith.addi %add3A_257, %mul3A_256 : i32
      %get3A_259 = arith.index_cast %add3A_258 : i32 to index
      %get3A_260 = tpu.vector_load %arg5[%get3A_259] {strides = array<i32>} : memref<40000xf32, #tpu.memory_space<vmem>>, vector<16xf32>,
      %get3A_261 = vector.shape_cast %get3A_260 : vector<16xf32> to vector<16xf32>
      %mul3A_262 = arith.mulf %get3A_261, %select_n3A_253 : vector<16xf32>
      %add3A_263 = arith.addf %add3A_213, %mul3A_262 : vector<16xf32>
      %mul3A_264 = arith.constant 16 : i32
      %mul3A_265 = arith.muli %add3A_244, %mul3A_264 : i32
      %add3A_266 = arith.constant 10000 : i32
      %add3A_267 = arith.addi %add3A_266, %mul3A_265 : i32
      %get3A_268 = arith.index_cast %add3A_267 : i32 to index
      %get3A_269 = tpu.vector_load %arg5[%get3A_268] {strides = array<i32>} : memref<40000xf32, #tpu.memory_space<vmem>>, vector<16xf32>,
      %get3A_270 = vector.shape_cast %get3A_269 : vector<16xf32> to vector<16xf32>
      %mul3A_271 = arith.mulf %get3A_270, %select_n3A_253 : vector<16xf32>
      %add3A_272 = arith.addf %add3A_222, %mul3A_271 : vector<16xf32>
      %mul3A_273 = arith.constant 16 : i32
      %mul3A_274 = arith.muli %add3A_244, %mul3A_273 : i32
      %add3A_275 = arith.constant 20000 : i32
      %add3A_276 = arith.addi %add3A_275, %mul3A_274 : i32
      %get3A_277 = arith.index_cast %add3A_276 : i32 to index
      %get3A_278 = tpu.vector_load %arg5[%get3A_277] {strides = array<i32>} : memref<40000xf32, #tpu.memory_space<vmem>>, vector<16xf32>,
      %get3A_279 = vector.shape_cast %get3A_278 : vector<16xf32> to vector<16xf32>
      %mul3A_280 = arith.mulf %get3A_279, %select_n3A_253 : vector<16xf32>
      %add3A_281 = arith.addf %add3A_231, %mul3A_280 : vector<16xf32>
      %mul3A_282 = arith.constant 16 : i32
      %mul3A_283 = arith.muli %add3A_244, %mul3A_282 : i32
      %add3A_284 = arith.constant 30000 : i32
      %add3A_285 = arith.addi %add3A_284, %mul3A_283 : i32
      %get3A_286 = arith.index_cast %add3A_285 : i32 to index
      %get3A_287 = tpu.vector_load %arg5[%get3A_286] {strides = array<i32>} : memref<40000xf32, #tpu.memory_space<vmem>>, vector<16xf32>,
      %get3A_288 = vector.shape_cast %get3A_287 : vector<16xf32> to vector<16xf32>
      %mul3A_289 = arith.mulf %get3A_288, %select_n3A_253 : vector<16xf32>
      %add3A_290 = arith.addf %add3A_240, %mul3A_289 : vector<16xf32>
      %mul3A_291 = arith.constant 5 : i32
      %mul3A_292 = arith.muli %scan3A_88, %mul3A_291 : i32
      %add3A_293 = arith.constant 4 : i32
      %add3A_294 = arith.addi %mul3A_292, %add3A_293 : i32
      %mul3A_295 = arith.constant 16 : i32
      %mul3A_296 = arith.muli %add3A_294, %mul3A_295 : i32
      %get3A_297 = arith.index_cast %mul3A_296 : i32 to index
      %get3A_298 = tpu.vector_load %arg6[%get3A_297] {strides = array<i32>} : memref<10000xi32, #tpu.memory_space<vmem>>, vector<16xi32>,
      %get3A_299 = vector.shape_cast %get3A_298 : vector<16xi32> to vector<16xi32>
      %eq3A_300 = arith.constant 0 : i32
      %eq3A_301 = vector.broadcast %eq3A_300 : i32 to vector<16xi32>
      %eq3A_302 = arith.cmpi eq, %get3A_299, %eq3A_301 : vector<16xi32>
      %select_n3A_303 = arith.select %eq3A_302, %broadcast_in_dim3A_63, %broadcast_in_dim3A_61 : vector<16xi1>, vector<16xf32>
      %add3A_304 = arith.addf %add3A_254, %select_n3A_303 : vector<16xf32>
      %mul3A_305 = arith.constant 16 : i32
      %mul3A_306 = arith.muli %add3A_294, %mul3A_305 : i32
      %add3A_307 = arith.constant 0 : i32
      %add3A_308 = arith.addi %add3A_307, %mul3A_306 : i32
      %get3A_309 = arith.index_cast %add3A_308 : i32 to index
      %get3A_310 = tpu.vector_load %arg5[%get3A_309] {strides = array<i32>} : memref<40000xf32, #tpu.memory_space<vmem>>, vector<16xf32>,
      %get3A_311 = vector.shape_cast %get3A_310 : vector<16xf32> to vector<16xf32>
      %mul3A_312 = arith.mulf %get3A_311, %select_n3A_303 : vector<16xf32>
      %add3A_313 = arith.addf %add3A_263, %mul3A_312 : vector<16xf32>
      %mul3A_314 = arith.constant 16 : i32
      %mul3A_315 = arith.muli %add3A_294, %mul3A_314 : i32
      %add3A_316 = arith.constant 10000 : i32
      %add3A_317 = arith.addi %add3A_316, %mul3A_315 : i32
      %get3A_318 = arith.index_cast %add3A_317 : i32 to index
      %get3A_319 = tpu.vector_load %arg5[%get3A_318] {strides = array<i32>} : memref<40000xf32, #tpu.memory_space<vmem>>, vector<16xf32>,
      %get3A_320 = vector.shape_cast %get3A_319 : vector<16xf32> to vector<16xf32>
      %mul3A_321 = arith.mulf %get3A_320, %select_n3A_303 : vector<16xf32>
      %add3A_322 = arith.addf %add3A_272, %mul3A_321 : vector<16xf32>
      %mul3A_323 = arith.constant 16 : i32
      %mul3A_324 = arith.muli %add3A_294, %mul3A_323 : i32
      %add3A_325 = arith.constant 20000 : i32
      %add3A_326 = arith.addi %add3A_325, %mul3A_324 : i32
      %get3A_327 = arith.index_cast %add3A_326 : i32 to index
      %get3A_328 = tpu.vector_load %arg5[%get3A_327] {strides = array<i32>} : memref<40000xf32, #tpu.memory_space<vmem>>, vector<16xf32>,
      %get3A_329 = vector.shape_cast %get3A_328 : vector<16xf32> to vector<16xf32>
      %mul3A_330 = arith.mulf %get3A_329, %select_n3A_303 : vector<16xf32>
      %add3A_331 = arith.addf %add3A_281, %mul3A_330 : vector<16xf32>
      %mul3A_332 = arith.constant 16 : i32
      %mul3A_333 = arith.muli %add3A_294, %mul3A_332 : i32
      %add3A_334 = arith.constant 30000 : i32
      %add3A_335 = arith.addi %add3A_334, %mul3A_333 : i32
      %get3A_336 = arith.index_cast %add3A_335 : i32 to index
      %get3A_337 = tpu.vector_load %arg5[%get3A_336] {strides = array<i32>} : memref<40000xf32, #tpu.memory_space<vmem>>, vector<16xf32>,
      %get3A_338 = vector.shape_cast %get3A_337 : vector<16xf32> to vector<16xf32>
      %mul3A_339 = arith.mulf %get3A_338, %select_n3A_303 : vector<16xf32>
      %add3A_340 = arith.addf %add3A_290, %mul3A_339 : vector<16xf32>
      scf.yield %add3A_313, %add3A_322, %add3A_331, %add3A_340, %add3A_304 : vector<16xf32>, vector<16xf32>, vector<16xf32>, vector<16xf32>, vector<16xf32>
    }
    %scan3A_68 = arith.constant 125 : i32
    %swap3A = arith.constant 0 : index
    %swap3A_69 = tpu.vector_load %arg7[%swap3A] {strides = array<i32>} : memref<80xf32, #tpu.memory_space<vmem>>, vector<16xf32>,
    %swap3A_70 = vector.shape_cast %swap3A_69 : vector<16xf32> to vector<16xf32>
    %swap3A_71 = vector.shape_cast %scan3A_67#0 : vector<16xf32> to vector<16xf32>
    tpu.vector_store %arg7[%swap3A], %swap3A_71 {strides = array<i32>} : memref<80xf32, #tpu.memory_space<vmem>>, vector<16xf32>,
    %swap3A_72 = arith.constant 16 : index
    %swap3A_73 = tpu.vector_load %arg7[%swap3A_72] {strides = array<i32>} : memref<80xf32, #tpu.memory_space<vmem>>, vector<16xf32>,
    %swap3A_74 = vector.shape_cast %swap3A_73 : vector<16xf32> to vector<16xf32>
    %swap3A_75 = vector.shape_cast %scan3A_67#1 : vector<16xf32> to vector<16xf32>
    tpu.vector_store %arg7[%swap3A_72], %swap3A_75 {strides = array<i32>} : memref<80xf32, #tpu.memory_space<vmem>>, vector<16xf32>,
    %swap3A_76 = arith.constant 32 : index
    %swap3A_77 = tpu.vector_load %arg7[%swap3A_76] {strides = array<i32>} : memref<80xf32, #tpu.memory_space<vmem>>, vector<16xf32>,
    %swap3A_78 = vector.shape_cast %swap3A_77 : vector<16xf32> to vector<16xf32>
    %swap3A_79 = vector.shape_cast %scan3A_67#2 : vector<16xf32> to vector<16xf32>
    tpu.vector_store %arg7[%swap3A_76], %swap3A_79 {strides = array<i32>} : memref<80xf32, #tpu.memory_space<vmem>>, vector<16xf32>,
    %swap3A_80 = arith.constant 48 : index
    %swap3A_81 = tpu.vector_load %arg7[%swap3A_80] {strides = array<i32>} : memref<80xf32, #tpu.memory_space<vmem>>, vector<16xf32>,
    %swap3A_82 = vector.shape_cast %swap3A_81 : vector<16xf32> to vector<16xf32>
    %swap3A_83 = vector.shape_cast %scan3A_67#3 : vector<16xf32> to vector<16xf32>
    tpu.vector_store %arg7[%swap3A_80], %swap3A_83 {strides = array<i32>} : memref<80xf32, #tpu.memory_space<vmem>>, vector<16xf32>,
    %swap3A_84 = arith.constant 64 : index
    %swap3A_85 = tpu.vector_load %arg7[%swap3A_84] {strides = array<i32>} : memref<80xf32, #tpu.memory_space<vmem>>, vector<16xf32>,
    %swap3A_86 = vector.shape_cast %swap3A_85 : vector<16xf32> to vector<16xf32>
    %swap3A_87 = vector.shape_cast %scan3A_67#4 : vector<16xf32> to vector<16xf32>
    tpu.vector_store %arg7[%swap3A_84], %swap3A_87 {strides = array<i32>} : memref<80xf32, #tpu.memory_space<vmem>>, vector<16xf32>,
    "tpu.region"() ({
      %run_scoped3A = tpu.sem_alloc : memref<!tpu.dma_semaphore, #tpu.memory_space<semaphore_mem>>
      %dma_start3A_88 = arith.constant 0 : i32
      %dma_start3A_89 = tpu.memref_slice %arg4[%add3A, %dma_start3A_88] : memref<32x80xf32, #tpu.memory_space<hbm>> -> memref<1x80xf32, #tpu.memory_space<hbm>>
      %dma_start3A_90 = tpu.memref_squeeze %dma_start3A_89 : memref<1x80xf32, #tpu.memory_space<hbm>> -> memref<80xf32, #tpu.memory_space<hbm>>
      %dma_start3A_91 = arith.constant 0 : i32
      %dma_start3A_92 = tpu.memref_slice %arg4[%add3A, %dma_start3A_91] : memref<32x80xf32, #tpu.memory_space<hbm>> -> memref<1x80xf32, #tpu.memory_space<hbm>>
      %dma_start3A_93 = tpu.memref_squeeze %dma_start3A_92 : memref<1x80xf32, #tpu.memory_space<hbm>> -> memref<80xf32, #tpu.memory_space<hbm>>
      tpu.enqueue_dma source(%arg7 : memref<80xf32, #tpu.memory_space<vmem>>) target(%dma_start3A_93 : memref<80xf32, #tpu.memory_space<hbm>>) target_semaphore(%run_scoped3A : memref<!tpu.dma_semaphore, #tpu.memory_space<semaphore_mem>>)
      %dma_wait3A_94 = arith.constant 0 : i32
      %dma_wait3A_95 = tpu.memref_slice %arg4[%add3A, %dma_wait3A_94] : memref<32x80xf32, #tpu.memory_space<hbm>> -> memref<1x80xf32, #tpu.memory_space<hbm>>
      %dma_wait3A_96 = tpu.memref_squeeze %dma_wait3A_95 : memref<1x80xf32, #tpu.memory_space<hbm>> -> memref<80xf32, #tpu.memory_space<hbm>>
      %dma_wait3A_97 = arith.constant 0 : i32
      %dma_wait3A_98 = tpu.memref_slice %arg4[%add3A, %dma_wait3A_97] : memref<32x80xf32, #tpu.memory_space<hbm>> -> memref<1x80xf32, #tpu.memory_space<hbm>>
      %dma_wait3A_99 = tpu.memref_squeeze %dma_wait3A_98 : memref<1x80xf32, #tpu.memory_space<hbm>> -> memref<80xf32, #tpu.memory_space<hbm>>
      tpu.wait_dma2 semaphore(%run_scoped3A : memref<!tpu.dma_semaphore, #tpu.memory_space<semaphore_mem>>) src(%arg7 : memref<80xf32, #tpu.memory_space<vmem>>) dst(%dma_wait3A_99 : memref<80xf32, #tpu.memory_space<hbm>>)
      tpu.yield
    }) : () -> ()
    return
  }
}

module attributes {stable_mosaic.version = 14 : i64} {
  func.func @_dense_body(%arg0: memref<32x80xf32, #tpu.memory_space<vmem>>, %arg1: memref<1x128xf32, #tpu.memory_space<vmem>>, %arg2: memref<128x64xf32, #tpu.memory_space<vmem>>, %arg3: memref<1x64xf32, #tpu.memory_space<vmem>>, %arg4: memref<4x64xf32, #tpu.memory_space<vmem>>, %arg5: memref<1x64xf32, #tpu.memory_space<vmem>>, %arg6: memref<3x64x64xf32, #tpu.memory_space<vmem>>, %arg7: memref<3x64xf32, #tpu.memory_space<vmem>>, %arg8: memref<3x128x64xf32, #tpu.memory_space<vmem>>, %arg9: memref<3x64xf32, #tpu.memory_space<vmem>>, %arg10: memref<64x64xf32, #tpu.memory_space<vmem>>, %arg11: memref<1x64xf32, #tpu.memory_space<vmem>>, %arg12: memref<64x32xf32, #tpu.memory_space<vmem>>, %arg13: memref<1x32xf32, #tpu.memory_space<vmem>>, %arg14: memref<32x1xf32, #tpu.memory_space<vmem>>, %arg15: memref<1x32xf32, #tpu.memory_space<vmem>>, %arg16: memref<1x1xf32, #tpu.memory_space<vmem>>, %arg17: memref<1x1xf32, #tpu.memory_space<vmem>>, %arg18: memref<1x128xf32, #tpu.memory_space<vmem>>) attributes {dimension_semantics = [], scalar_prefetch = 0 : i64, scratch_operands = 0 : i64, tpu.core_type = #tpu.core_type<tc>} {
    %get3A = arith.constant 0 : index
    %get3A_0 = arith.constant 0 : index
    %get3A_1 = vector.load %arg0[%get3A, %get3A_0] : memref<32x80xf32, #tpu.memory_space<vmem>>, vector<32x80xf32>
    %reduce_sum3A = arith.constant dense<0.000000e+00> : vector<80xf32>
    %reduce_sum3A_2 = vector.multi_reduction <add>, %get3A_1, %reduce_sum3A [0] : vector<32x80xf32> to vector<80xf32>
    %broadcast_in_dim3A = vector.shape_cast %reduce_sum3A_2 : vector<80xf32> to vector<1x80xf32>
    %slice3A = vector.extract_strided_slice %broadcast_in_dim3A {offsets = [0, 0], sizes = [1, 16], strides = [1, 1]} : vector<1x80xf32> to vector<1x16xf32>
    %reduce_sum3A_3 = arith.constant dense<0.000000e+00> : vector<1xf32>
    %reduce_sum3A_4 = vector.multi_reduction <add>, %slice3A, %reduce_sum3A_3 [1] : vector<1x16xf32> to vector<1xf32>
    %broadcast_in_dim3A_5 = vector.shape_cast %reduce_sum3A_4 : vector<1xf32> to vector<1x1xf32>
    %slice3A_6 = vector.extract_strided_slice %broadcast_in_dim3A {offsets = [0, 16], sizes = [1, 16], strides = [1, 1]} : vector<1x80xf32> to vector<1x16xf32>
    %reduce_sum3A_7 = arith.constant dense<0.000000e+00> : vector<1xf32>
    %reduce_sum3A_8 = vector.multi_reduction <add>, %slice3A_6, %reduce_sum3A_7 [1] : vector<1x16xf32> to vector<1xf32>
    %broadcast_in_dim3A_9 = vector.shape_cast %reduce_sum3A_8 : vector<1xf32> to vector<1x1xf32>
    %slice3A_10 = vector.extract_strided_slice %broadcast_in_dim3A {offsets = [0, 32], sizes = [1, 16], strides = [1, 1]} : vector<1x80xf32> to vector<1x16xf32>
    %reduce_sum3A_11 = arith.constant dense<0.000000e+00> : vector<1xf32>
    %reduce_sum3A_12 = vector.multi_reduction <add>, %slice3A_10, %reduce_sum3A_11 [1] : vector<1x16xf32> to vector<1xf32>
    %broadcast_in_dim3A_13 = vector.shape_cast %reduce_sum3A_12 : vector<1xf32> to vector<1x1xf32>
    %slice3A_14 = vector.extract_strided_slice %broadcast_in_dim3A {offsets = [0, 48], sizes = [1, 16], strides = [1, 1]} : vector<1x80xf32> to vector<1x16xf32>
    %reduce_sum3A_15 = arith.constant dense<0.000000e+00> : vector<1xf32>
    %reduce_sum3A_16 = vector.multi_reduction <add>, %slice3A_14, %reduce_sum3A_15 [1] : vector<1x16xf32> to vector<1xf32>
    %broadcast_in_dim3A_17 = vector.shape_cast %reduce_sum3A_16 : vector<1xf32> to vector<1x1xf32>
    %slice3A_18 = vector.extract_strided_slice %broadcast_in_dim3A {offsets = [0, 64], sizes = [1, 16], strides = [1, 1]} : vector<1x80xf32> to vector<1x16xf32>
    %reduce_sum3A_19 = arith.constant dense<0.000000e+00> : vector<1xf32>
    %reduce_sum3A_20 = vector.multi_reduction <add>, %slice3A_18, %reduce_sum3A_19 [1] : vector<1x16xf32> to vector<1xf32>
    %broadcast_in_dim3A_21 = vector.shape_cast %reduce_sum3A_20 : vector<1xf32> to vector<1x1xf32>
    %concatenate3A = tpu.concatenate %broadcast_in_dim3A_5, %broadcast_in_dim3A_9, %broadcast_in_dim3A_13, %broadcast_in_dim3A_17 in 1 : vector<1x1xf32>, vector<1x1xf32>, vector<1x1xf32>, vector<1x1xf32> -> vector<1x4xf32>
    %get3A_22 = arith.constant 0 : index
    %get3A_23 = arith.constant 0 : index
    %get3A_24 = vector.load %arg4[%get3A_22, %get3A_23] : memref<4x64xf32, #tpu.memory_space<vmem>>, vector<4x64xf32>
    %dot_general3A = arith.constant dense<0.000000e+00> : vector<1x64xf32>
    %dot_general3A_25 = tpu.matmul %concatenate3A, %get3A_24, %dot_general3A {dimension_numbers = #tpu.dot_dimension_numbers<[1], [0], [0], [1], [0, 0, 1, 1], [], []>, transpose_lhs_hint = false} : vector<1x4xf32>, vector<4x64xf32>, vector<1x64xf32> -> vector<1x64xf32>
    %get3A_26 = arith.constant 0 : index
    %get3A_27 = arith.constant 0 : index
    %get3A_28 = vector.load %arg5[%get3A_26, %get3A_27] : memref<1x64xf32, #tpu.memory_space<vmem>>, vector<1x64xf32>
    %mul3A = vector.broadcast %broadcast_in_dim3A_21 : vector<1x1xf32> to vector<1x64xf32>
    %mul3A_29 = arith.mulf %mul3A, %get3A_28 : vector<1x64xf32>
    %add3A = arith.addf %dot_general3A_25, %mul3A_29 : vector<1x64xf32>
    %get3A_30 = arith.constant 0 : index
    %get3A_31 = arith.constant 0 : index
    %get3A_32 = vector.load %arg1[%get3A_30, %get3A_31] : memref<1x128xf32, #tpu.memory_space<vmem>>, vector<1x128xf32>
    %get3A_33 = arith.constant 0 : index
    %get3A_34 = arith.constant 0 : index
    %get3A_35 = vector.load %arg2[%get3A_33, %get3A_34] : memref<128x64xf32, #tpu.memory_space<vmem>>, vector<128x64xf32>
    %dot_general3A_36 = arith.constant dense<0.000000e+00> : vector<1x64xf32>
    %dot_general3A_37 = tpu.matmul %get3A_32, %get3A_35, %dot_general3A_36 {dimension_numbers = #tpu.dot_dimension_numbers<[1], [0], [0], [1], [0, 0, 1, 1], [], []>, transpose_lhs_hint = false} : vector<1x128xf32>, vector<128x64xf32>, vector<1x64xf32> -> vector<1x64xf32>
    %get3A_38 = arith.constant 0 : index
    %get3A_39 = arith.constant 0 : index
    %get3A_40 = vector.load %arg3[%get3A_38, %get3A_39] : memref<1x64xf32, #tpu.memory_space<vmem>>, vector<1x64xf32>
    %add3A_41 = arith.addf %dot_general3A_37, %get3A_40 : vector<1x64xf32>
    %get3A_42 = arith.constant 0 : index
    %get3A_43 = arith.constant 0 : index
    %get3A_44 = vector.load %arg7[%get3A_42, %get3A_43] : memref<3x64xf32, #tpu.memory_space<vmem>>, vector<3x64xf32>
    %get3A_45 = arith.constant 0 : index
    %get3A_46 = arith.constant 0 : index
    %get3A_47 = vector.load %arg9[%get3A_45, %get3A_46] : memref<3x64xf32, #tpu.memory_space<vmem>>, vector<3x64xf32>
    %get3A_48 = arith.constant 0 : index
    %get3A_49 = arith.constant 0 : index
    %get3A_50 = arith.constant 0 : index
    %get3A_51 = vector.load %arg6[%get3A_48, %get3A_49, %get3A_50] : memref<3x64x64xf32, #tpu.memory_space<vmem>>, vector<1x64x64xf32>
    %get3A_52 = vector.shape_cast %get3A_51 : vector<1x64x64xf32> to vector<64x64xf32>
    %dot_general3A_53 = arith.constant dense<0.000000e+00> : vector<1x64xf32>
    %dot_general3A_54 = tpu.matmul %add3A, %get3A_52, %dot_general3A_53 {dimension_numbers = #tpu.dot_dimension_numbers<[1], [0], [0], [1], [0, 0, 1, 1], [], []>, transpose_lhs_hint = false} : vector<1x64xf32>, vector<64x64xf32>, vector<1x64xf32> -> vector<1x64xf32>
    %slice3A_55 = vector.extract_strided_slice %get3A_44 {offsets = [0, 0], sizes = [1, 64], strides = [1, 1]} : vector<3x64xf32> to vector<1x64xf32>
    %mul3A_56 = vector.broadcast %broadcast_in_dim3A_21 : vector<1x1xf32> to vector<1x64xf32>
    %mul3A_57 = arith.mulf %mul3A_56, %slice3A_55 : vector<1x64xf32>
    %add3A_58 = arith.addf %dot_general3A_54, %mul3A_57 : vector<1x64xf32>
    %concatenate3A_59 = tpu.concatenate %add3A_41, %add3A_58 in 1 : vector<1x64xf32>, vector<1x64xf32> -> vector<1x128xf32>
    %get3A_60 = arith.constant 0 : index
    %get3A_61 = arith.constant 0 : index
    %get3A_62 = arith.constant 0 : index
    %get3A_63 = vector.load %arg8[%get3A_60, %get3A_61, %get3A_62] : memref<3x128x64xf32, #tpu.memory_space<vmem>>, vector<1x128x64xf32>
    %get3A_64 = vector.shape_cast %get3A_63 : vector<1x128x64xf32> to vector<128x64xf32>
    %dot_general3A_65 = arith.constant dense<0.000000e+00> : vector<1x64xf32>
    %dot_general3A_66 = tpu.matmul %concatenate3A_59, %get3A_64, %dot_general3A_65 {dimension_numbers = #tpu.dot_dimension_numbers<[1], [0], [0], [1], [0, 0, 1, 1], [], []>, transpose_lhs_hint = false} : vector<1x128xf32>, vector<128x64xf32>, vector<1x64xf32> -> vector<1x64xf32>
    %slice3A_67 = vector.extract_strided_slice %get3A_47 {offsets = [0, 0], sizes = [1, 64], strides = [1, 1]} : vector<3x64xf32> to vector<1x64xf32>
    %add3A_68 = arith.addf %dot_general3A_66, %slice3A_67 : vector<1x64xf32>
    %ge3A = arith.constant 0.000000e+00 : f32
    %ge3A_69 = vector.broadcast %ge3A : f32 to vector<1x64xf32>
    %ge3A_70 = arith.cmpf oge, %add3A_68, %ge3A_69 : vector<1x64xf32>
    %mul3A_71 = arith.constant 0.00999999977 : f32
    %mul3A_72 = vector.broadcast %mul3A_71 : f32 to vector<1x64xf32>
    %mul3A_73 = arith.mulf %mul3A_72, %add3A_68 : vector<1x64xf32>
    %select_n3A = arith.select %ge3A_70, %add3A_68, %mul3A_73 : vector<1x64xi1>, vector<1x64xf32>
    %get3A_74 = arith.constant 1 : index
    %get3A_75 = arith.constant 0 : index
    %get3A_76 = arith.constant 0 : index
    %get3A_77 = vector.load %arg6[%get3A_74, %get3A_75, %get3A_76] : memref<3x64x64xf32, #tpu.memory_space<vmem>>, vector<1x64x64xf32>
    %get3A_78 = vector.shape_cast %get3A_77 : vector<1x64x64xf32> to vector<64x64xf32>
    %dot_general3A_79 = arith.constant dense<0.000000e+00> : vector<1x64xf32>
    %dot_general3A_80 = tpu.matmul %add3A, %get3A_78, %dot_general3A_79 {dimension_numbers = #tpu.dot_dimension_numbers<[1], [0], [0], [1], [0, 0, 1, 1], [], []>, transpose_lhs_hint = false} : vector<1x64xf32>, vector<64x64xf32>, vector<1x64xf32> -> vector<1x64xf32>
    %slice3A_81 = vector.extract_strided_slice %get3A_44 {offsets = [1, 0], sizes = [1, 64], strides = [1, 1]} : vector<3x64xf32> to vector<1x64xf32>
    %mul3A_82 = vector.broadcast %broadcast_in_dim3A_21 : vector<1x1xf32> to vector<1x64xf32>
    %mul3A_83 = arith.mulf %mul3A_82, %slice3A_81 : vector<1x64xf32>
    %add3A_84 = arith.addf %dot_general3A_80, %mul3A_83 : vector<1x64xf32>
    %concatenate3A_85 = tpu.concatenate %select_n3A, %add3A_84 in 1 : vector<1x64xf32>, vector<1x64xf32> -> vector<1x128xf32>
    %get3A_86 = arith.constant 1 : index
    %get3A_87 = arith.constant 0 : index
    %get3A_88 = arith.constant 0 : index
    %get3A_89 = vector.load %arg8[%get3A_86, %get3A_87, %get3A_88] : memref<3x128x64xf32, #tpu.memory_space<vmem>>, vector<1x128x64xf32>
    %get3A_90 = vector.shape_cast %get3A_89 : vector<1x128x64xf32> to vector<128x64xf32>
    %dot_general3A_91 = arith.constant dense<0.000000e+00> : vector<1x64xf32>
    %dot_general3A_92 = tpu.matmul %concatenate3A_85, %get3A_90, %dot_general3A_91 {dimension_numbers = #tpu.dot_dimension_numbers<[1], [0], [0], [1], [0, 0, 1, 1], [], []>, transpose_lhs_hint = false} : vector<1x128xf32>, vector<128x64xf32>, vector<1x64xf32> -> vector<1x64xf32>
    %slice3A_93 = vector.extract_strided_slice %get3A_47 {offsets = [1, 0], sizes = [1, 64], strides = [1, 1]} : vector<3x64xf32> to vector<1x64xf32>
    %add3A_94 = arith.addf %dot_general3A_92, %slice3A_93 : vector<1x64xf32>
    %ge3A_95 = arith.constant 0.000000e+00 : f32
    %ge3A_96 = vector.broadcast %ge3A_95 : f32 to vector<1x64xf32>
    %ge3A_97 = arith.cmpf oge, %add3A_94, %ge3A_96 : vector<1x64xf32>
    %mul3A_98 = arith.constant 0.00999999977 : f32
    %mul3A_99 = vector.broadcast %mul3A_98 : f32 to vector<1x64xf32>
    %mul3A_100 = arith.mulf %mul3A_99, %add3A_94 : vector<1x64xf32>
    %select_n3A_101 = arith.select %ge3A_97, %add3A_94, %mul3A_100 : vector<1x64xi1>, vector<1x64xf32>
    %get3A_102 = arith.constant 2 : index
    %get3A_103 = arith.constant 0 : index
    %get3A_104 = arith.constant 0 : index
    %get3A_105 = vector.load %arg6[%get3A_102, %get3A_103, %get3A_104] : memref<3x64x64xf32, #tpu.memory_space<vmem>>, vector<1x64x64xf32>
    %get3A_106 = vector.shape_cast %get3A_105 : vector<1x64x64xf32> to vector<64x64xf32>
    %dot_general3A_107 = arith.constant dense<0.000000e+00> : vector<1x64xf32>
    %dot_general3A_108 = tpu.matmul %add3A, %get3A_106, %dot_general3A_107 {dimension_numbers = #tpu.dot_dimension_numbers<[1], [0], [0], [1], [0, 0, 1, 1], [], []>, transpose_lhs_hint = false} : vector<1x64xf32>, vector<64x64xf32>, vector<1x64xf32> -> vector<1x64xf32>
    %slice3A_109 = vector.extract_strided_slice %get3A_44 {offsets = [2, 0], sizes = [1, 64], strides = [1, 1]} : vector<3x64xf32> to vector<1x64xf32>
    %mul3A_110 = vector.broadcast %broadcast_in_dim3A_21 : vector<1x1xf32> to vector<1x64xf32>
    %mul3A_111 = arith.mulf %mul3A_110, %slice3A_109 : vector<1x64xf32>
    %add3A_112 = arith.addf %dot_general3A_108, %mul3A_111 : vector<1x64xf32>
    %concatenate3A_113 = tpu.concatenate %select_n3A_101, %add3A_112 in 1 : vector<1x64xf32>, vector<1x64xf32> -> vector<1x128xf32>
    %get3A_114 = arith.constant 2 : index
    %get3A_115 = arith.constant 0 : index
    %get3A_116 = arith.constant 0 : index
    %get3A_117 = vector.load %arg8[%get3A_114, %get3A_115, %get3A_116] : memref<3x128x64xf32, #tpu.memory_space<vmem>>, vector<1x128x64xf32>
    %get3A_118 = vector.shape_cast %get3A_117 : vector<1x128x64xf32> to vector<128x64xf32>
    %dot_general3A_119 = arith.constant dense<0.000000e+00> : vector<1x64xf32>
    %dot_general3A_120 = tpu.matmul %concatenate3A_113, %get3A_118, %dot_general3A_119 {dimension_numbers = #tpu.dot_dimension_numbers<[1], [0], [0], [1], [0, 0, 1, 1], [], []>, transpose_lhs_hint = false} : vector<1x128xf32>, vector<128x64xf32>, vector<1x64xf32> -> vector<1x64xf32>
    %slice3A_121 = vector.extract_strided_slice %get3A_47 {offsets = [2, 0], sizes = [1, 64], strides = [1, 1]} : vector<3x64xf32> to vector<1x64xf32>
    %add3A_122 = arith.addf %dot_general3A_120, %slice3A_121 : vector<1x64xf32>
    %ge3A_123 = arith.constant 0.000000e+00 : f32
    %ge3A_124 = vector.broadcast %ge3A_123 : f32 to vector<1x64xf32>
    %ge3A_125 = arith.cmpf oge, %add3A_122, %ge3A_124 : vector<1x64xf32>
    %mul3A_126 = arith.constant 0.00999999977 : f32
    %mul3A_127 = vector.broadcast %mul3A_126 : f32 to vector<1x64xf32>
    %mul3A_128 = arith.mulf %mul3A_127, %add3A_122 : vector<1x64xf32>
    %select_n3A_129 = arith.select %ge3A_125, %add3A_122, %mul3A_128 : vector<1x64xi1>, vector<1x64xf32>
    %get3A_130 = arith.constant 0 : index
    %get3A_131 = arith.constant 0 : index
    %get3A_132 = vector.load %arg10[%get3A_130, %get3A_131] : memref<64x64xf32, #tpu.memory_space<vmem>>, vector<64x64xf32>
    %get3A_133 = arith.constant 0 : index
    %get3A_134 = arith.constant 0 : index
    %get3A_135 = vector.load %arg11[%get3A_133, %get3A_134] : memref<1x64xf32, #tpu.memory_space<vmem>>, vector<1x64xf32>
    %get3A_136 = arith.constant 0 : index
    %get3A_137 = arith.constant 0 : index
    %get3A_138 = vector.load %arg12[%get3A_136, %get3A_137] : memref<64x32xf32, #tpu.memory_space<vmem>>, vector<64x32xf32>
    %get3A_139 = arith.constant 0 : index
    %get3A_140 = arith.constant 0 : index
    %get3A_141 = vector.load %arg13[%get3A_139, %get3A_140] : memref<1x32xf32, #tpu.memory_space<vmem>>, vector<1x32xf32>
    %dot_general3A_142 = arith.constant dense<0.000000e+00> : vector<1x64xf32>
    %dot_general3A_143 = tpu.matmul %select_n3A_129, %get3A_132, %dot_general3A_142 {dimension_numbers = #tpu.dot_dimension_numbers<[1], [0], [0], [1], [0, 0, 1, 1], [], []>, transpose_lhs_hint = false} : vector<1x64xf32>, vector<64x64xf32>, vector<1x64xf32> -> vector<1x64xf32>
    %add3A_144 = arith.addf %dot_general3A_143, %get3A_135 : vector<1x64xf32>
    %ge3A_145 = arith.constant 0.000000e+00 : f32
    %ge3A_146 = vector.broadcast %ge3A_145 : f32 to vector<1x64xf32>
    %ge3A_147 = arith.cmpf oge, %add3A_144, %ge3A_146 : vector<1x64xf32>
    %mul3A_148 = arith.constant 0.00999999977 : f32
    %mul3A_149 = vector.broadcast %mul3A_148 : f32 to vector<1x64xf32>
    %mul3A_150 = arith.mulf %mul3A_149, %add3A_144 : vector<1x64xf32>
    %select_n3A_151 = arith.select %ge3A_147, %add3A_144, %mul3A_150 : vector<1x64xi1>, vector<1x64xf32>
    %dot_general3A_152 = arith.constant dense<0.000000e+00> : vector<1x32xf32>
    %dot_general3A_153 = tpu.matmul %select_n3A_151, %get3A_138, %dot_general3A_152 {dimension_numbers = #tpu.dot_dimension_numbers<[1], [0], [0], [1], [0, 0, 1, 1], [], []>, transpose_lhs_hint = false} : vector<1x64xf32>, vector<64x32xf32>, vector<1x32xf32> -> vector<1x32xf32>
    %add3A_154 = arith.addf %dot_general3A_153, %get3A_141 : vector<1x32xf32>
    %ge3A_155 = arith.constant 0.000000e+00 : f32
    %ge3A_156 = vector.broadcast %ge3A_155 : f32 to vector<1x32xf32>
    %ge3A_157 = arith.cmpf oge, %add3A_154, %ge3A_156 : vector<1x32xf32>
    %mul3A_158 = arith.constant 0.00999999977 : f32
    %mul3A_159 = vector.broadcast %mul3A_158 : f32 to vector<1x32xf32>
    %mul3A_160 = arith.mulf %mul3A_159, %add3A_154 : vector<1x32xf32>
    %select_n3A_161 = arith.select %ge3A_157, %add3A_154, %mul3A_160 : vector<1x32xi1>, vector<1x32xf32>
    %get3A_162 = arith.constant 0 : index
    %get3A_163 = arith.constant 0 : index
    %get3A_164 = vector.load %arg14[%get3A_162, %get3A_163] : memref<32x1xf32, #tpu.memory_space<vmem>>, vector<32x1xf32>
    %dot_general3A_165 = arith.constant dense<0.000000e+00> : vector<1x1xf32>
    %dot_general3A_166 = tpu.matmul %select_n3A_161, %get3A_164, %dot_general3A_165 {dimension_numbers = #tpu.dot_dimension_numbers<[1], [0], [0], [1], [0, 0, 1, 1], [], []>, transpose_lhs_hint = false} : vector<1x32xf32>, vector<32x1xf32>, vector<1x1xf32> -> vector<1x1xf32>
    %get3A_167 = arith.constant 0 : index
    %get3A_168 = arith.constant 0 : index
    %get3A_169 = vector.load %arg16[%get3A_167, %get3A_168] : memref<1x1xf32, #tpu.memory_space<vmem>>, vector<1x1xf32>
    %add3A_170 = arith.addf %dot_general3A_166, %get3A_169 : vector<1x1xf32>
    %swap3A = arith.constant 0 : index
    %swap3A_171 = arith.constant 0 : index
    %swap3A_172 = vector.load %arg17[%swap3A, %swap3A_171] : memref<1x1xf32, #tpu.memory_space<vmem>>, vector<1x1xf32>
    tpu.vector_store %arg17[%swap3A, %swap3A_171], %add3A_170 {strides = array<i32>} : memref<1x1xf32, #tpu.memory_space<vmem>>, vector<1x1xf32>,
    %dot_general3A_173 = arith.constant dense<0.000000e+00> : vector<1x64xf32>
    %dot_general3A_174 = tpu.matmul %add3A_41, %get3A_132, %dot_general3A_173 {dimension_numbers = #tpu.dot_dimension_numbers<[1], [0], [0], [1], [0, 0, 1, 1], [], []>, transpose_lhs_hint = false} : vector<1x64xf32>, vector<64x64xf32>, vector<1x64xf32> -> vector<1x64xf32>
    %add3A_175 = arith.addf %dot_general3A_174, %get3A_135 : vector<1x64xf32>
    %ge3A_176 = arith.constant 0.000000e+00 : f32
    %ge3A_177 = vector.broadcast %ge3A_176 : f32 to vector<1x64xf32>
    %ge3A_178 = arith.cmpf oge, %add3A_175, %ge3A_177 : vector<1x64xf32>
    %mul3A_179 = arith.constant 0.00999999977 : f32
    %mul3A_180 = vector.broadcast %mul3A_179 : f32 to vector<1x64xf32>
    %mul3A_181 = arith.mulf %mul3A_180, %add3A_175 : vector<1x64xf32>
    %select_n3A_182 = arith.select %ge3A_178, %add3A_175, %mul3A_181 : vector<1x64xi1>, vector<1x64xf32>
    %dot_general3A_183 = arith.constant dense<0.000000e+00> : vector<1x32xf32>
    %dot_general3A_184 = tpu.matmul %select_n3A_182, %get3A_138, %dot_general3A_183 {dimension_numbers = #tpu.dot_dimension_numbers<[1], [0], [0], [1], [0, 0, 1, 1], [], []>, transpose_lhs_hint = false} : vector<1x64xf32>, vector<64x32xf32>, vector<1x32xf32> -> vector<1x32xf32>
    %add3A_185 = arith.addf %dot_general3A_184, %get3A_141 : vector<1x32xf32>
    %get3A_186 = arith.constant 0 : index
    %get3A_187 = arith.constant 0 : index
    %get3A_188 = vector.load %arg15[%get3A_186, %get3A_187] : memref<1x32xf32, #tpu.memory_space<vmem>>, vector<1x32xf32>
    %ge3A_189 = arith.constant 0.000000e+00 : f32
    %ge3A_190 = vector.broadcast %ge3A_189 : f32 to vector<1x32xf32>
    %ge3A_191 = arith.cmpf oge, %add3A_185, %ge3A_190 : vector<1x32xf32>
    %jit3A = arith.constant 1.000000e+00 : f32
    %jit3A_192 = arith.constant 0.00999999977 : f32
    %broadcast_in_dim3A_193 = vector.broadcast %jit3A : f32 to vector<1x32xf32>
    %broadcast_in_dim3A_194 = vector.broadcast %jit3A_192 : f32 to vector<1x32xf32>
    %select_n3A_195 = arith.select %ge3A_191, %broadcast_in_dim3A_193, %broadcast_in_dim3A_194 : vector<1x32xi1>, vector<1x32xf32>
    %mul3A_196 = arith.mulf %get3A_188, %select_n3A_195 : vector<1x32xf32>
    %dot_general3A_197 = arith.constant dense<0.000000e+00> : vector<1x64xf32>
    %dot_general3A_198 = tpu.matmul %mul3A_196, %get3A_138, %dot_general3A_197 {dimension_numbers = #tpu.dot_dimension_numbers<[1], [1], [0], [0], [0, 0, 1, 0], [], []>, transpose_lhs_hint = false} : vector<1x32xf32>, vector<64x32xf32>, vector<1x64xf32> -> vector<1x64xf32>
    %ge3A_199 = arith.constant 0.000000e+00 : f32
    %ge3A_200 = vector.broadcast %ge3A_199 : f32 to vector<1x64xf32>
    %ge3A_201 = arith.cmpf oge, %add3A_175, %ge3A_200 : vector<1x64xf32>
    %jit3A_202 = arith.constant 1.000000e+00 : f32
    %jit3A_203 = arith.constant 0.00999999977 : f32
    %broadcast_in_dim3A_204 = vector.broadcast %jit3A_202 : f32 to vector<1x64xf32>
    %broadcast_in_dim3A_205 = vector.broadcast %jit3A_203 : f32 to vector<1x64xf32>
    %select_n3A_206 = arith.select %ge3A_201, %broadcast_in_dim3A_204, %broadcast_in_dim3A_205 : vector<1x64xi1>, vector<1x64xf32>
    %mul3A_207 = arith.mulf %dot_general3A_198, %select_n3A_206 : vector<1x64xf32>
    %dot_general3A_208 = arith.constant dense<0.000000e+00> : vector<1x64xf32>
    %dot_general3A_209 = tpu.matmul %mul3A_207, %get3A_132, %dot_general3A_208 {dimension_numbers = #tpu.dot_dimension_numbers<[1], [1], [0], [0], [0, 0, 1, 0], [], []>, transpose_lhs_hint = false} : vector<1x64xf32>, vector<64x64xf32>, vector<1x64xf32> -> vector<1x64xf32>
    %get3A_210 = arith.constant 0 : index
    %get3A_211 = arith.constant 0 : index
    %get3A_212 = vector.load %arg2[%get3A_210, %get3A_211] : memref<128x64xf32, #tpu.memory_space<vmem>>, vector<128x64xf32>
    %dot_general3A_213 = arith.constant dense<0.000000e+00> : vector<1x128xf32>
    %dot_general3A_214 = tpu.matmul %dot_general3A_209, %get3A_212, %dot_general3A_213 {dimension_numbers = #tpu.dot_dimension_numbers<[1], [1], [0], [0], [0, 0, 1, 0], [], []>, transpose_lhs_hint = false} : vector<1x64xf32>, vector<128x64xf32>, vector<1x128xf32> -> vector<1x128xf32>
    %swap3A_215 = arith.constant 0 : index
    %swap3A_216 = arith.constant 0 : index
    %swap3A_217 = vector.load %arg18[%swap3A_215, %swap3A_216] : memref<1x128xf32, #tpu.memory_space<vmem>>, vector<1x128xf32>
    tpu.vector_store %arg18[%swap3A_215, %swap3A_216], %dot_general3A_214 {strides = array<i32>} : memref<1x128xf32, #tpu.memory_space<vmem>>, vector<1x128xf32>,
    return
  }
}

</mosaic_0001>

<sc_bundles>
// kernel: kernel.4.cloned.1.call-start
scs
__scs_entry_jumppad:
0x0: {  	(pc) =	sbr.rel $0x88, $3  }
0x1: {  	(tag) =	ssettag $0x0;
	lr =	simm.s32 $0x1  }
0x2: {  	[smem:$0x3F90] =	sst lr;
	_ =	strace $0xD0000000  }
0x3: {  	_ = 	snop  }
0x4: {  	_ = 	snop  }
0x5: {  	_ = 	snop  }
0x6: {  	_ = 	snop  }
0x7: {  	_ = 	snop  }
__scs_overlays_trampoline_lowered:
0x8: {  	[smem:$0x3F9F] =	sst s0  }
0x9: {  	[smem:$0x3FA0] =	sst s1  }
0xa: {  	[smem:$0x3FA1] =	sst s2  }
0xb: {  	[smem:$0x3FA2] =	sst s3  }
0xc: {  	[smem:$0x3FA3] =	sst s4  }
0xd: {  	[smem:$0x3FA4] =	sst s5  }
0xe: {  	[smem:$0x3FA5] =	sst s6  }
0xf: {  	[smem:$0x3FA6] =	sst s7  }
0x10: {  	[smem:$0x3FA7] =	sst s8  }
0x11: {  	[smem:$0x3FA8] =	sst s9;
	s0 =	simm.s32 @!p0 $0x0  }
0x12: {  	s1 =	sld [smem:$0x3F8E];
	s0 =	simm.s32 @p0 $0x1  }
0x13: {  	[smem:$0x3FA9] =	sst s0;
	s0 =	simm.s32 @!p1 $0x0  }
0x14: {  	s2 =	sld [smem:$0x3F8D];
	s0 =	simm.s32 @p1 $0x1  }
0x15: {  	[smem:$0x3FAA] =	sst s0;
	s0 =	simm.s32 @!p2 $0x0  }
0x16: {  	s3 =	sld [smem:$0x3FDB];
	s0 =	simm.s32 @p2 $0x1  }
0x17: {  	s4 =	simm.s32 $0x1BF5;
	[smem:$0x3FAC] =	sst s0  }
0x18: {  	s0 =	sld [smem:$0x3F8F];
	_ =	swait.ge [sflag:s4], $0x0  }
0x19: {  	s7 =	sld [smem:$0x3F90]  }
0x1a: {  	s8 =	sadd.s32 $0xFFFFE003, lr  }
0x1b: {  	s9 =	sadd.s32 $0xFFFFFEF7, lr;
	s5 =	simm.s32 $0xFFFFFFFF;
	p2 =	slt.u32 s8, $0xFFFFF086  }
0x1c: {  	p1 =	slt.u32 s9, $0xF7A;
	s5 =	simm.s32 @!p2 $0x0  }
0x1d: {  	s5 =	simm.s32 @p1 $0x1;
	p0 =	seq.s32 s7, s2  }
0x1e: {  	s7 =	smul.u32 @!p0 $0xF7A, s2;
	p2 =	seq.s32 @!p0 s5, $0x0  }
0x1f: {  	s9 =	smul.u32 $0xF7A, s1;
	s8 =	simm.s32 @!p0 $0x1BF5;
	p2 =	por !p2, p0  }
0x20: {  	[sflag:s8] =	ssyncset.s32 @!p0 $0xFFFFF086;
	s6 =	sadd.s32 @!p0 s3, s7;
	s7 =	simm.s32 @!p0 $0x108  }
0x21: {  	s3 =	sadd.s32 s3, s9;
	s6 =	sadd.s32 @!p0 $0x88, s6;
	s7 =	simm.s32 @p2 $0x1082  }
0x22: {  	[simem:s7], [sflag:s8] =	dma.local @!p0 [hbm:s6], $0xF7A  }
0x23: {  	s9 =	sor.u32 $0xD0000000, s2;
	s6 =	simm.s32 $0x108;
	_ =	swait.ge @!p0 [sflag:s8], $0x0  }
0x24: {  	s3 =	sadd.s32 $0x88, s3;
	s6 =	simm.s32 @!p1 $0x1082;
	[sflag:s4] =	ssyncset.s32 $0xFFFFF086  }
0x25: {  	[simem:s6], [sflag:s4] =	dma.local [hbm:s3], $0xF7A  }
0x26: {  	[smem:$0x3F90] =	sst s1;
	(tag) =	ssettag s2;
	_ =	strace s9  }
0x27: {  	s1 =	sld [smem:$0x3FA0]  }
0x28: {  	s2 =	sld [smem:$0x3FA1]  }
0x29: {  	s4 =	sld [smem:$0x3FA3]  }
0x2a: {  	p0 =	seq.s32 s5, $0x0;
	s5 =	sld [smem:$0x3FA4]  }
0x2b: {  	s6 =	sld [smem:$0x3FA5]  }
0x2c: {  	s7 =	sld [smem:$0x3FA6]  }
0x2d: {  	s3 =	simm.s32 $0x108;
	s8 =	sld [smem:$0x3FA7]  }
0x2e: {  	s3 =	simm.s32 @!p0 $0x1082;
	s9 =	sld [smem:$0x3FA8]  }
0x2f: {  	lr =	sadd.s32 s0, s3;
	s0 =	sld [smem:$0x3F9F]  }
0x30: {  	s3 =	sld [smem:$0x3FA2]  }
0x31: {  	[smem:$0x3FAB] =	sst s10  }
0x32: {  	s10 =	sld [smem:$0x3FA9];
	_ =	sdelay $0x3  }
0x33: {  	p0 =	seq.s32 s10, $0x1;
	s10 =	sld [smem:$0x3FAB];
	_ =	sdelay $0x3  }
0x34: {  	[smem:$0x3FAB] =	sst s10  }
0x35: {  	s10 =	sld [smem:$0x3FAA];
	_ =	sdelay $0x3  }
0x36: {  	p1 =	seq.s32 s10, $0x1;
	s10 =	sld [smem:$0x3FAB];
	_ =	sdelay $0x3  }
0x37: {  	[smem:$0x3FAB] =	sst s10  }
0x38: {  	s10 =	sld [smem:$0x3FAC]  }
0x39: {  	_ = 	snop;
	(pc) =	sbr.ind lr, $3  }
0x3a: {  	_ = 	snop  }
0x3b: {  	_ = 	snop  }
0x3c: {  	p2 =	seq.s32 s10, $0x1;
	s10 =	sld [smem:$0x3FAB]  }
0x3d: {  	_ =	shalt  }
0x3e: {  	_ =	shalt  }
0x3f: {  	_ =	shalt  }
0x40: {  	_ =	shalt  }
0x41: {  	_ =	shalt  }
0x42: {  	_ =	shalt  }
0x43: {  	_ =	shalt  }
0x44: {  	_ =	shalt  }
0x45: {  	_ =	shalt  }
0x46: {  	_ =	shalt  }
0x47: {  	_ =	shalt  }
0x48: {  	_ =	shalt  }
0x49: {  	_ =	shalt  }
0x4a: {  	_ =	shalt  }
0x4b: {  	_ =	shalt  }
0x4c: {  	_ =	shalt  }
0x4d: {  	_ =	shalt  }
0x4e: {  	_ =	shalt  }
0x4f: {  	_ =	shalt  }
0x50: {  	_ =	shalt  }
0x51: {  	_ =	shalt  }
0x52: {  	_ =	shalt  }
0x53: {  	_ =	shalt  }
0x54: {  	_ =	shalt  }
0x55: {  	_ =	shalt  }
0x56: {  	_ =	shalt  }
0x57: {  	_ =	shalt  }
0x58: {  	_ =	shalt  }
0x59: {  	_ =	shalt  }
0x5a: {  	_ =	shalt  }
0x5b: {  	_ =	shalt  }
0x5c: {  	_ =	shalt  }
0x5d: {  	_ =	shalt  }
0x5e: {  	_ =	shalt  }
0x5f: {  	_ =	shalt  }
0x60: {  	_ =	shalt  }
0x61: {  	_ =	shalt  }
0x62: {  	_ =	shalt  }
0x63: {  	_ =	shalt  }
0x64: {  	_ =	shalt  }
0x65: {  	_ =	shalt  }
0x66: {  	_ =	shalt  }
0x67: {  	_ =	shalt  }
0x68: {  	_ =	shalt  }
0x69: {  	_ =	shalt  }
0x6a: {  	_ =	shalt  }
0x6b: {  	_ =	shalt  }
0x6c: {  	_ =	shalt  }
0x6d: {  	_ =	shalt  }
0x6e: {  	_ =	shalt  }
0x6f: {  	_ =	shalt  }
0x70: {  	_ =	shalt  }
0x71: {  	_ =	shalt  }
0x72: {  	_ =	shalt  }
0x73: {  	_ =	shalt  }
0x74: {  	_ =	shalt  }
0x75: {  	_ =	shalt  }
0x76: {  	_ =	shalt  }
0x77: {  	_ =	shalt  }
0x78: {  	_ =	shalt  }
0x79: {  	_ =	shalt  }
0x7a: {  	_ =	shalt  }
0x7b: {  	_ =	shalt  }
0x7c: {  	_ =	shalt  }
0x7d: {  	_ =	shalt  }
0x7e: {  	_ =	shalt  }
0x7f: {  	_ =	shalt  }
0x80: {  	_ =	shalt  }
0x81: {  	_ =	shalt  }
0x82: {  	_ =	shalt  }
0x83: {  	_ =	shalt  }
0x84: {  	_ =	shalt  }
0x85: {  	_ =	shalt  }
0x86: {  	_ =	shalt  }
0x87: {  	_ =	shalt  }
.Lfunc_end0:
.L_simem_size_0:
called_computation_lowered:
.L_overlay_start_0:
0x88: {  	s2 =	sld [smem:$0x3FD9]  }
0x89: {  	s3 =	sld [smem:$0x3FFE];
	_ =	sdelay $0x1  }
0x8a: {  	s1 =	srdreg.scid  }
0x8b: {  	s0 =	sand.u32 $0x1, s1  }
0x8c: {  	s17 =	sshll.u32 s0, $0xA;
	s2 =	sadd.s32 s3, s2  }
0x8d: {  	s2 =	sadd.s32 s2, s17  }
0x8e: {  	[smem:$0x3FB7] =	sst s2  }
0x8f: {  	_ = 	snop  }
0x90: {  	s2 =	sld [smem:$0x3FC7];
	(tm) =	ssettm $0x1  }
0x91: {  	s18 =	sld [smem:$0x3FFB];
	_ =	sdelay $0x3  }
0x92: {  	_ =	strace s18  }
0x93: {  	s3 =	sld [smem:$0x3FFC];
	_ =	sdelay $0x3  }
0x94: {  	_ =	strace s3  }
0x95: {  	s3 =	sld [smem:$0x3FFD];
	_ =	sdelay $0x3  }
0x96: {  	_ =	strace s3  }
0x97: {  	_ =	strace $0x8FFFFFFF  }
0x98: {  	s19 =	sld [smem:$0x3FDB];
	_ =	sdelay $0x1  }
0x99: {  	s4 =	simm.s32 $_scs_section_size  }
0x9a: {  	s5 =	simm.s32 $_size__tile_overlayer_lowered;
	s6 =	simm.s32 $_tile_overlayer_lowered  }
0x9b: {  	s22 =	simm.s32 $0x1BFF;
	s21 =	sshll.u32 s6, $0x1;
	s3 =	sadd.s32 s4, s19  }
0x9c: {  	s7 =	simm.s32 $0x0;
	s20 =	sshll.u32 s5, $0x1;
	s5 =	sadd.s32 s21, s3  }
0x9d: {  	[timem:s7], [sflag:s22] =	dma.local [hbm:s5], s20  }
0x9e: {  	_ =	swait.ge [sflag:s22], s20  }
0x9f: {  	s4 =	ssub.s32 $0x0, s20;
	[sflag:s22] =	ssyncset.done $0x0  }
0xa0: {  	[sflag:s22] =	ssyncadd.s32 s4;
	_ =	sdelay $0x1  }
0xa1: {  	s23 =	simm.s32 $0x1B8B  }
0xa2: {  	_ =	swait.ge [sflag:s23], $0x1  }
0xa3: {  	[sflag:s23] =	ssyncset.done $0x0  }
0xa4: {  	s25 =	simm.s32 $0x1B8E;
	s24 =	sld [smem:$0x3FFE];
	[sflag:s23] =	ssyncadd.s32 $0xFFFFFFFF  }
0xa5: {  	s26 =	simm.s32 $execute0_lowered;
	[smem:$0x3FD2] =	sst s25  }
0xa6: {  	s5 =	sshll.u32 s26, $0x1;
	_ =	strace $0x80000046;
	[dreg:$0x1] =	wrdreg $0xFFFFFFFF  }
0xa7: {  	s28 =	simm.s32 $_size_execute0_lowered;
	s3 =	sadd.s32 s3, s5;
	[dreg:$0x0] =	wrdreg $0x0  }
0xa8: {  	s5 =	sshll.u32 s28, $0x1;
	[dreg:$0x2] =	wrdreg s3  }
0xa9: {  	[dreg:$0x3] =	wrdreg s5  }
0xaa: {  	[dreg:$0x4] =	wrdreg $0xC0  }
0xab: {  	_ =	task [dreg:s7], $0x5FFFF  }
0xac: {  	[dreg:$0x1] =	wrdreg $0xFFFFFFFF  }
0xad: {  	[dreg:$0x0] =	wrdreg $0x60  }
0xae: {  	[dreg:$0x2] =	wrdreg s24  }
0xaf: {  	[dreg:$0x3] =	wrdreg s2  }
0xb0: {  	[dreg:$0x4] =	wrdreg $0x9  }
0xb1: {  	_ =	task.clear_ibuf [dreg:s7], $0x5FFFF;
	_ =	strace $0x90000046  }
0xb2: {  	s29 =	simm.s32 $0x9;
	_ =	strace $0x80000048  }
0xb3: {  	_ =	swait.ge [sflag:s29], $0x1  }
0xb4: {  	[sflag:s29] =	ssyncadd.s32 $0xFFFFFFFF  }
0xb5: {  	_ =	strace $0x90000048  }
0xb6: {  	_ =	sfence  }
0xb7: {  	s30 =	sld [smem:$0x0];
	_ =	sdelay $0x2  }
0xb8: {  	s31 =	sshll.u32 s1, $0xD;
	s1 =	sshrl.u32 s1, $0x2  }
0xb9: {  	s3 =	sand.u32 $0x4000, s31;
	s1 =	sadd.s32 s1, s30  }
0xba: {  	s0 =	sor.u32 s3, s0;
	s1 =	sshll.u32 s1, $0x11  }
0xbb: {  	s0 =	sor.u32 s1, s0  }
0xbc: {  	s0 =	sadd.s32 $0x8F2B, s0  }
0xbd: {  	[sflag:s0] =	ssyncadd.remote.s32 $0x1  }
0xbe: {  	_ =	sfence.sel $0xFFFF  }
0xbf: {  	[dreg:$0x0] =	wrdreg $0xFFFFFFFF;
	(pc) =	sbr.abs _section_cstart, $3  }
0xc0: {  	[dreg:$0x1] =	wrdreg $0xFFFFFFFF  }
0xc1: {  	_ =	task.clear_ibuf [dreg:s7], $0x2FFFF;
	_ =	strace $0x9FFFFFFF  }
0xc2: {  	(tm) =	ssettm $0x7FFFFFFF  }
0xc3: {  	_ =	shalt  }
tec
execute0_lowered:
.L_overlay_start_1:
0x0: {  	(tag) =	ssettag $0x1  }
0x1: {  	s3 =	rddreg [dreg:$0x0];
	s1 =	srdreg.scid  }
0x2: {  	s0 =	stileid.u32;
	s7 =	rddreg [dreg:$0x1]  }
0x3: {  	s2 =	simm.s32 $0x0;
	s12 =	simm.s32 $0x7530;
	s13 =	simm.s32 $0x9C80  }
0x4: {  	s14 =	simm.s32 $0x1;
	s4 =	sand.u32 $0x1, s1;
	s5 =	sshll.u32 s0, $0x1  }
0x5: {  	s15 =	simm.s32 $0xC400;
	s16 =	simm.s32 $0x2;
	s5 =	sor.u32 s4, s5  }
0x6: {  	s17 =	simm.s32 $0x0;
	[smem:$0x7FF] =	sst s2;
	s6 =	smul.u32 $0x2710, s5  }
0x7: {  	s1 =	rddreg [dreg:$0x2];
	_ =	strace $0x80000047;
	s4 =	ssub.s32 $0x2, s4  }
0x8: {  	s5 =	sshll.u32 s5, $0x4;
	s31 =	sshrl.u32 s4, $0x1;
	s8 =	sshrl.u32 s6, $0x3  }
0x9: {  	s10 =	sadd.s32 s5, s3;
	s11 =	ssub.s32 s4, s31;
	s9 =	sadd.s32 s8, s3  }
0xa: {  	s7 =	sadd.s32 s7, s8;
	s8 =	sadd.s32 $0x29400, s10;
	s10 =	simm.s32 $0x2710  }
0xb: {  	s3 =	sadd.s32 $0x2200, s9;
	s4 =	sadd.s32 $0xBE40, s9;
	s5 =	sadd.s32 $0x15A80, s9  }
0xc: {  	v0 =	vimm.f32 $0.0e+00;
	s6 =	sadd.s32 $0x1F6C0, s9;
	s9 =	smax.u32 s11, $0x1;
	s11 =	simm.s32 $0x4E20  }
.LBB2_1:
0xd: {  	[tilespmem:s2], [sflag:$0x1] =	stream.linear.gather [hbm4b:s3+s2], $0x2710, $0x38;
	[tilespmem:$0xC480] =	vst v63  }
0xe: {  	_ = 	snop  }
0xf: {  	[tilespmem:s10], [sflag:$0x1] =	stream.linear.gather [hbm4b:s4+s2], $0x2710, $0x38;
	[tilespmem:$0xC480] =	vst v63  }
0x10: {  	_ = 	snop  }
0x11: {  	[tilespmem:s11], [sflag:$0x1] =	stream.linear.gather [hbm4b:s5+s2], $0x2710, $0x38;
	[tilespmem:$0xC480] =	vst v63  }
0x12: {  	_ = 	snop  }
0x13: {  	[tilespmem:s12], [sflag:$0x1] =	stream.linear.gather [hbm4b:s6+s2], $0x2710, $0x38;
	[tilespmem:$0xC480] =	vst v63  }
0x14: {  	_ = 	snop  }
0x15: {  	[tilespmem:s13], [sflag:$0x1] =	stream.linear.gather [hbm4b:s7+s2], $0x2710, $0x38;
	[tilespmem:$0xC480] =	vst v63  }
0x16: {  	_ =	swait.ge [sflag:s14], $0x2710  }
0x17: {  	[sflag:s14] =	ssyncset.done $0x0  }
0x18: {  	[sflag:s14] =	ssyncadd.s32 $0xFFFFD8F0  }
0x19: {  	_ =	swait.ge [sflag:s14], $0x2710  }
0x1a: {  	[sflag:s14] =	ssyncset.done $0x0  }
0x1b: {  	[sflag:s14] =	ssyncadd.s32 $0xFFFFD8F0  }
0x1c: {  	_ =	swait.ge [sflag:s14], $0x2710  }
0x1d: {  	[sflag:s14] =	ssyncset.done $0x0  }
0x1e: {  	[sflag:s14] =	ssyncadd.s32 $0xFFFFD8F0  }
0x1f: {  	_ =	swait.ge [sflag:s14], $0x2710  }
0x20: {  	[sflag:s14] =	ssyncset.done $0x0  }
0x21: {  	[sflag:s14] =	ssyncadd.s32 $0xFFFFD8F0  }
0x22: {  	_ =	swait.ge [sflag:s14], $0x2710  }
0x23: {  	[sflag:s14] =	ssyncset.done $0x0  }
0x24: {  	s18 =	simm.s32 $0x0;
	[sflag:s14] =	ssyncadd.s32 $0xFFFFD8F0  }
0x25: {  	v3 =	vld [tilespmem:s18+$0x40]  }
0x26: {  	v7 =	vld [tilespmem:s18+$0x2750]  }
0x27: {  	v6 =	vld [tilespmem:s18+$0x30]  }
0x28: {  	v8 =	vld [tilespmem:s18+$0x2740]  }
0x29: {  	v1 =	vld [tilespmem:s18+$0x9C80]  }
0x2a: {  	v2 =	vld [tilespmem:s18+$0x9CC0]  }
0x2b: {  	v4 =	vld [tilespmem:s18+$0x9C90]  }
0x2c: {  	v9 =	vld [tilespmem:s18+$0x20]  }
0x2d: {  	v15 =	vld [tilespmem:s18+$0x9CB0]  }
0x2e: {  	v16 =	vld [tilespmem:s18+$0x9CA0]  }
0x2f: {  	v11 =	vld [tilespmem:s18+$0x2730]  }
0x30: {  	v5 =	vimm.f32 $0.0e+00;
	v12 =	vld [tilespmem:s18+$0x10];
	vm0 =	veq.s32 v1, $0x0;
	vm1 =	veq.s32 v4, $0x0  }
0x31: {  	v13 =	vld [tilespmem:s18+$0x2720];
	v4 =	vimm.f32 $0.0e+00;
	v1 =	vimm.f32 $0.0e+00;
	v10 =	vsel vm0, $0x3F800000, v0  }
0x32: {  	s19 =	simm.s32 $0x140;
	v14 =	vld [tilespmem:s18+$0x0];
	vm0 =	veq.s32 v2, $0x0;
	v2 =	vimm.f32 $0.0e+00;
	v17 =	vadd.f32 v10, v0  }
.LBB2_2:
0x33: {  	p0 =	sne.s32 s19, $0x9B00;
	v18 =	vld [tilespmem:s18+$0x2710];
	v19 =	vsel vm1, $0x3F800000, v0;
	vm1 =	veq.s32 v16, $0x0;
	vm2 =	veq.s32 v15, $0x0  }
0x34: {  	v20 =	vsel vm0, $0x3F800000, v0;
	v15 =	vld [tilespmem:s18+$0x4E20];
	v16 =	vadd.f32 v19, v17;
	v17 =	vsel vm2, $0x3F800000, v0  }
0x35: {  	v22 =	vsel vm1, $0x3F800000, v0;
	v23 =	vmul.f32 v20, v3;
	v24 =	vmul.f32 v20, v7;
	v21 =	vld [tilespmem:s18+$0x7530]  }
0x36: {  	v25 =	vmul.f32 v17, v8;
	v3 =	vld [tilespmem:s18+$0x4E30];
	v7 =	vadd.f32 v22, v16;
	v16 =	vmul.f32 v17, v6  }
0x37: {  	v8 =	vmul.f32 v22, v9;
	v9 =	vmul.f32 v22, v11;
	v6 =	vld [tilespmem:s18+$0x7540]  }
0x38: {  	v11 =	vmul.f32 v19, v12;
	v12 =	vmul.f32 v19, v13;
	v13 =	vld [tilespmem:s18+$0x4E40];
	v7 =	vadd.f32 v17, v7  }
0x39: {  	v14 =	vmul.f32 v10, v14;
	v18 =	vmul.f32 v10, v18;
	v26 =	vld [tilespmem:s18+$0x7550]  }
0x3a: {  	v15 =	vmul.f32 v15, v10;
	v10 =	vmul.f32 v21, v10;
	v21 =	vld [tilespmem:s18+$0x4E50];
	v27 =	vadd.f32 v20, v7  }
0x3b: {  	v5 =	vadd.f32 v14, v5;
	v4 =	vadd.f32 v18, v4;
	v7 =	vmul.f32 v3, v19;
	v14 =	vld [tilespmem:s18+$0x7560]  }
0x3c: {  	v2 =	vadd.f32 v15, v2;
	v1 =	vadd.f32 v10, v1;
	v6 =	vmul.f32 v6, v19;
	v10 =	vld [tilespmem:s18+$0x4E60]  }
0x3d: {  	v5 =	vadd.f32 v11, v5;
	v4 =	vadd.f32 v12, v4;
	v11 =	vmul.f32 v13, v22;
	v12 =	vld [tilespmem:s18+$0x7570];
	s18 =	sshra.s32 s19, $0x2  }
0x3e: {  	v2 =	vadd.f32 v7, v2;
	v3 =	vld [tilespmem:s18+$0x40];
	v1 =	vadd.f32 v6, v1;
	v13 =	vmul.f32 v26, v22  }
0x3f: {  	v5 =	vadd.f32 v8, v5;
	v4 =	vadd.f32 v9, v4;
	v7 =	vld [tilespmem:s18+$0x2750];
	v9 =	vmul.f32 v21, v17  }
0x40: {  	v2 =	vadd.f32 v11, v2;
	v6 =	vld [tilespmem:s18+$0x30];
	v1 =	vadd.f32 v13, v1;
	v11 =	vmul.f32 v14, v17  }
0x41: {  	v5 =	vadd.f32 v16, v5;
	v4 =	vadd.f32 v25, v4;
	v8 =	vld [tilespmem:s18+$0x2740];
	v10 =	vmul.f32 v10, v20  }
0x42: {  	v2 =	vadd.f32 v9, v2;
	v18 =	vld [tilespmem:s18+$0x9CC0];
	v1 =	vadd.f32 v11, v1;
	v11 =	vmul.f32 v12, v20  }
0x43: {  	v5 =	vadd.f32 v23, v5;
	v4 =	vadd.f32 v24, v4;
	v9 =	vld [tilespmem:s18+$0x20]  }
0x44: {  	v2 =	vadd.f32 v10, v2;
	v12 =	vld [tilespmem:s18+$0x9C80];
	v1 =	vadd.f32 v11, v1  }
0x45: {  	v15 =	vld [tilespmem:s18+$0x9CB0]  }
0x46: {  	v19 =	vld [tilespmem:s18+$0x9C90]  }
.Ltmp0:
0x47: {  	v16 =	vld [tilespmem:s18+$0x9CA0];
	(pc) =	sbr.rel @p0 .LBB2_2-.Ltmp0, $4  }
0x48: {  	v11 =	vld [tilespmem:s18+$0x2730]  }
0x49: {  	vm0 =	veq.s32 v12, $0x0;
	v12 =	vld [tilespmem:s18+$0x10]  }
0x4a: {  	v10 =	vsel vm0, $0x3F800000, v0;
	v13 =	vld [tilespmem:s18+$0x2720]  }
0x4b: {  	s19 =	sadd.s32 $0x140, s19;
	vm0 =	veq.s32 v18, $0x0;
	v17 =	vadd.f32 v10, v27;
	v14 =	vld [tilespmem:s18+$0x0];
	vm1 =	veq.s32 v19, $0x0  }
0x4c: {  	v18 =	vld [tilespmem:s18+$0x2710];
	vm2 =	veq.s32 v15, $0x0;
	v49 =	vsel vm0, $0x3F800000, v0  }
0x4d: {  	vm15 =	veq.s32 v16, $0x0;
	v47 =	vld [tilespmem:s18+$0x4E20];
	v20 =	vsel vm2, $0x3F800000, v0;
	v3 =	vmul.f32 v49, v3  }
0x4e: {  	v21 =	vld [tilespmem:s18+$0x7530];
	v7 =	vmul.f32 v49, v7;
	v22 =	vsel vm15, $0x3F800000, v0;
	v6 =	vmul.f32 v20, v6  }
0x4f: {  	v19 =	vsel vm1, $0x3F800000, v0;
	v23 =	vld [tilespmem:s18+$0x4E30];
	v8 =	vmul.f32 v20, v8;
	v9 =	vmul.f32 v22, v9  }
0x50: {  	v24 =	vld [tilespmem:s18+$0x7540];
	v48 =	vadd.f32 v19, v17;
	v11 =	vmul.f32 v22, v11;
	v14 =	vmul.f32 v10, v14  }
0x51: {  	v25 =	vld [tilespmem:s18+$0x4E40];
	v12 =	vmul.f32 v19, v12;
	v18 =	vmul.f32 v10, v18  }
0x52: {  	v26 =	vld [tilespmem:s18+$0x7550];
	v16 =	vadd.f32 v22, v48;
	v15 =	vmul.f32 v47, v10;
	v5 =	vadd.f32 v14, v5  }
0x53: {  	v51 =	vld [tilespmem:s18+$0x4E50];
	v13 =	vmul.f32 v19, v13;
	v50 =	vmul.f32 v21, v10;
	v4 =	vadd.f32 v18, v4  }
0x54: {  	v53 =	vld [tilespmem:s18+$0x7560];
	v52 =	vmul.f32 v23, v19;
	v2 =	vadd.f32 v15, v2;
	v5 =	vadd.f32 v12, v5  }
0x55: {  	v55 =	vld [tilespmem:s18+$0x4E60];
	v54 =	vmul.f32 v24, v19;
	v1 =	vadd.f32 v50, v1;
	v4 =	vadd.f32 v13, v4  }
0x56: {  	v57 =	vld [tilespmem:s18+$0x7570];
	v56 =	vmul.f32 v25, v22;
	v2 =	vadd.f32 v52, v2;
	v5 =	vadd.f32 v9, v5  }
0x57: {  	v58 =	vmul.f32 v26, v22;
	v1 =	vadd.f32 v54, v1;
	v4 =	vadd.f32 v11, v4  }
0x58: {  	v59 =	vmul.f32 v51, v20;
	v2 =	vadd.f32 v56, v2;
	v5 =	vadd.f32 v6, v5  }
0x59: {  	v60 =	vmul.f32 v53, v20;
	v1 =	vadd.f32 v58, v1;
	v4 =	vadd.f32 v8, v4  }
0x5a: {  	v61 =	vmul.f32 v55, v49;
	v2 =	vadd.f32 v59, v2;
	v3 =	vadd.f32 v3, v5  }
0x5b: {  	v62 =	vmul.f32 v57, v49;
	v1 =	vadd.f32 v60, v1;
	v4 =	vadd.f32 v7, v4  }
0x5c: {  	v63 =	vadd.f32 v20, v16;
	v2 =	vadd.f32 v61, v2;
	[tilespmem:$0xC400] =	vst v3  }
0x5d: {  	v1 =	vadd.f32 v62, v1;
	[tilespmem:$0xC410] =	vst v4  }
0x5e: {  	s17 =	sadd.s32 $0x1, s17;
	v3 =	vadd.f32 v49, v63;
	[tilespmem:$0xC420] =	vst v2  }
0x5f: {  	p0 =	sne.s32 s17, s9;
	[tilespmem:$0xC430] =	vst v1  }
.Ltmp1:
0x60: {  	[tilespmem:$0xC440] =	vst v3;
	(pc) =	sbr.rel @p0 .LBB2_1-.Ltmp1, $4  }
0x61: {  	[hbm4b:s8+s2] =	stream.linear.scatter [tilespmem:s15], [sflag:$0x2], $0x80, $0x38;
	[tilespmem:$0xC480] =	vst v63  }
0x62: {  	_ =	swait.ge [sflag:s16], $0x80  }
0x63: {  	[sflag:s16] =	ssyncset.done $0x0  }
0x64: {  	[sflag:s16] =	ssyncadd.s32 $0xFFFFFF80  }
0x65: {  	_ =	sfence.sel $0x180000  }
0x66: {  	[bflag:$0x0] =	sbarrier.arrive $0xFFFF  }
0x67: {  	p0 =	sne.s32 s0, $0x0;
	_ =	strace $0x90000047  }
0x68: {  	s0 =	sadd.s32 @!p0 $0x100000, s1;
	[bflag:$0x2] =	sbarrier.arrive $0xFFFF  }
0x69: {  	[sflag:s0] =	ssyncadd.tile.s32 @!p0 $0x1;
	_ =	shalt  }
.Lfunc_end2:
_tile_overlayer_lowered:
.L_overlay_start_2:
0x6a: {  	(tag) =	ssettag $0x2  }
0x6b: {  	s0 =	rddreg [dreg:$0x0];
	s2 =	stileid.u32  }
0x6c: {  	s1 =	rddreg [dreg:$0x1];
	p0 =	sne.s32 s2, $0x0  }
0x6d: {  	s3 =	rddreg [dreg:$0x2];
	[bflag:$0x3] =	sbarrier.arrive $0xFFFF;
	s2 =	simm.s32 @!p0 $0x1C02  }
0x6e: {  	[timem:s3], [sflag:s2] =	dma.local @!p0 [hbm:s0], s1  }
0x6f: {  	s0 =	simm.s32 @!p0 $0x2  }
0x70: {  	_ =	swait.ge @!p0 [sflag:s0], s1  }
0x71: {  	s1 =	ssub.s32 @!p0 $0x0, s1;
	[sflag:s0] =	ssyncset.done @!p0 $0x0  }
0x72: {  	[sflag:s0] =	ssyncadd.s32 @!p0 s1  }
0x73: {  	[bflag:$0x3] =	sbarrier.arrive $0xFFFF  }
0x74: {  	_ =	shalt  }

</sc_bundles>
